<compile_context>
chip_gen: v7x
topology: tpu7x:2x2x1
jax: 0.10.2.dev20260603
libtpu: 0.0.44.dev20260713+nightly
codegen_flags: <defaults>
</compile_context>

<pallas_src>
import functools

import jax
import jax.numpy as jnp
from jax import lax
from jax.experimental import pallas as pl
from jax.experimental.pallas import tpu as pltpu
from jax.experimental.pallas import tpu_sc as plsc

EMB_D = 32
C = 512
NBUF = 5
DEPTH = 3
NW = 32


@functools.cache
def _make_sc_gather(n_idx: int):
    assert n_idx % (NW * C) == 0
    per_w = n_idx // NW
    chunks = per_w // C
    assert chunks % NBUF == 0 and chunks >= 2 * NBUF
    mesh = plsc.VectorSubcoreMesh(core_axis_name="c", subcore_axis_name="s")

    @functools.partial(
        pl.kernel,
        mesh=mesh,
        out_type=jax.ShapeDtypeStruct((n_idx, EMB_D), jnp.float32),
        scratch_types=[
            pltpu.VMEM((NBUF, C), jnp.int32),
            pltpu.VMEM((NBUF, C, EMB_D), jnp.float32),
        ] + [pltpu.SemaphoreType.DMA] * (3 * NBUF),
        compiler_params=pltpu.CompilerParams(use_tc_tiling_on_sc=False),
    )
    def k(idx_hbm, table_hbm, out_hbm, idx_v, rows_v, *sems):
        sa, sb, sc = sems[:NBUF], sems[NBUF:2 * NBUF], sems[2 * NBUF:]
        wid = lax.axis_index("s") * 2 + lax.axis_index("c")
        base = wid * per_w

        def idx_src(g):
            return idx_hbm.at[pl.ds(base + g * C, C)]

        def out_dst(g):
            return out_hbm.at[pl.ds(base + g * C, C), :]

        def wait_a(g, b):
            pltpu.make_async_copy(idx_src(g), idx_v.at[b], sa[b]).wait()

        def wait_b(g, b):
            pltpu.make_async_copy(
                table_hbm.at[idx_v.at[b]], rows_v.at[b], sb[b]).wait()

        def wait_c(g, b):
            pltpu.make_async_copy(rows_v.at[b], out_dst(g), sc[b]).wait()

        for b in range(NBUF):
            pltpu.async_copy(idx_src(b), idx_v.at[b], sa[b])

        def body(i, carry):
            for u in range(NBUF):
                g = i * NBUF + u
                p = (u - DEPTH) % NBUF

                wait_a(g, u)

                @pl.when(g >= NBUF)
                def _():
                    wait_c(g - NBUF, u)

                pltpu.async_copy(
                    table_hbm.at[idx_v.at[u]], rows_v.at[u], sb[u])

                @pl.when(g >= DEPTH)
                def _():
                    wait_b(g - DEPTH, p)
                    pltpu.async_copy(rows_v.at[p], out_dst(g - DEPTH), sc[p])

                @pl.when((g >= DEPTH) & (g - DEPTH + NBUF < chunks))
                def _():
                    pltpu.async_copy(
                        idx_src(g - DEPTH + NBUF), idx_v.at[p], sa[p])
            return carry

        lax.fori_loop(0, chunks // NBUF, body, 0)

        for g in range(chunks - DEPTH, chunks):
            b = g % NBUF
            wait_b(g, b)
            pltpu.async_copy(rows_v.at[b], out_dst(g), sc[b])
        for g in range(chunks - NBUF, chunks):
            wait_c(g, g % NBUF)

    return k


def kernel(token_ids, table):
    b0, b1 = token_ids.shape
    flat = token_ids.reshape(-1).astype(jnp.int32)
    out = _make_sc_gather(flat.shape[0])(flat, table)
    return out.reshape(b0, b1, EMB_D)

# --- scband reference (transcript-rebuilt; emitter-appended) ---
"""Pipeline reference for scband-token-embedding-41953240547775 (READ-ONLY COPY).

The authoritative reference and input builder live on the scoring server;
editing this copy changes nothing except your own understanding.
"""

import jax, jax.numpy as jnp
import numpy as np

VOCAB_SIZE = 1000000
EMB_DIM = 32
PADDING_IDX = 0


def setup_inputs(seed: int = 0) -> dict:
    key = jax.random.key(seed)
    k_idx, k_tab = jax.random.split(key)
    token_ids = jax.random.randint(k_idx, (16384, 200), 0, VOCAB_SIZE, dtype=jnp.int64 if jax.config.jax_enable_x64 else jnp.int32)
    # nn.Embedding: weight ~ N(0,1), padding_idx row zeroed at init
    table = jax.random.normal(k_tab, (VOCAB_SIZE, EMB_DIM), dtype=jnp.float32)
    table = table.at[PADDING_IDX].set(0.0)
    return {"token_ids": token_ids, "table": table}


def reference(token_ids, table):
    # embedding lookup: gather rows of the table
    return jnp.take(table, token_ids, axis=0)

if __name__ == "__main__":
    import jax
    _d = setup_inputs()
    print(jax.jit(kernel)(*tuple(_d.values())))

</pallas_src>

<mosaic_0001>
#map = affine_map<(d0, d1) -> (0)>
#map1 = affine_map<(d0, d1) -> (0, 0)>
module attributes {stable_mosaic.version = 14 : i64} {
  func.func @k(%arg0: i32, %arg1: i32, %arg2: memref<3276800xi32, #tpu.memory_space<hbm>>, %arg3: memref<1000000x32xf32, #tpu.memory_space<hbm>>, %arg4: memref<3276800x32xf32, #tpu.memory_space<hbm>>, %arg5: memref<5x512xi32, #tpu.memory_space<vmem>>, %arg6: memref<5x512x32xf32, #tpu.memory_space<vmem>>, %arg7: memref<!tpu.dma_semaphore, #tpu.memory_space<semaphore_mem>>, %arg8: memref<!tpu.dma_semaphore, #tpu.memory_space<semaphore_mem>>, %arg9: memref<!tpu.dma_semaphore, #tpu.memory_space<semaphore_mem>>, %arg10: memref<!tpu.dma_semaphore, #tpu.memory_space<semaphore_mem>>, %arg11: memref<!tpu.dma_semaphore, #tpu.memory_space<semaphore_mem>>, %arg12: memref<!tpu.dma_semaphore, #tpu.memory_space<semaphore_mem>>, %arg13: memref<!tpu.dma_semaphore, #tpu.memory_space<semaphore_mem>>, %arg14: memref<!tpu.dma_semaphore, #tpu.memory_space<semaphore_mem>>, %arg15: memref<!tpu.dma_semaphore, #tpu.memory_space<semaphore_mem>>, %arg16: memref<!tpu.dma_semaphore, #tpu.memory_space<semaphore_mem>>, %arg17: memref<!tpu.dma_semaphore, #tpu.memory_space<semaphore_mem>>, %arg18: memref<!tpu.dma_semaphore, #tpu.memory_space<semaphore_mem>>, %arg19: memref<!tpu.dma_semaphore, #tpu.memory_space<semaphore_mem>>, %arg20: memref<!tpu.dma_semaphore, #tpu.memory_space<semaphore_mem>>, %arg21: memref<!tpu.dma_semaphore, #tpu.memory_space<semaphore_mem>>) attributes {dimension_semantics = [#tpu.dimension_semantics<core_parallel>, #tpu.dimension_semantics<subcore_parallel>], iteration_bounds = array<i64: 2, 16>, scalar_prefetch = 0 : i64, scratch_operands = 17 : i64, tpu.core_type = #tpu.core_type<sc_vector_subcore>, window_params = [{transform_indices = #map}, {transform_indices = #map1}, {transform_indices = #map1}]} {
    %mul3A = arith.constant 2 : i32
    %mul3A_0 = arith.muli %arg1, %mul3A : i32
    %add3A = arith.addi %mul3A_0, %arg0 : i32
    %mul3A_1 = arith.constant 102400 : i32
    %mul3A_2 = arith.muli %add3A, %mul3A_1 : i32
    %add3A_3 = arith.constant 0 : i32
    %add3A_4 = arith.addi %mul3A_2, %add3A_3 : i32
    %dma_start3A = arith.constant 0 : i32
    %dma_start3A_5 = arith.constant 0 : i32
    %dma_start3A_6 = tpu.memref_slice %arg5[%dma_start3A, %dma_start3A_5] : memref<5x512xi32, #tpu.memory_space<vmem>> -> memref<1x512xi32, #tpu.memory_space<vmem>>
    %dma_start3A_7 = tpu.memref_squeeze %dma_start3A_6 : memref<1x512xi32, #tpu.memory_space<vmem>> -> memref<512xi32, #tpu.memory_space<vmem>>
    %dma_start3A_8 = tpu.memref_slice %arg2[%add3A_4] : memref<3276800xi32, #tpu.memory_space<hbm>> -> memref<512xi32, #tpu.memory_space<hbm>>
    %dma_start3A_9 = arith.constant 0 : i32
    %dma_start3A_10 = tpu.memref_slice %arg5[%dma_start3A, %dma_start3A_9] : memref<5x512xi32, #tpu.memory_space<vmem>> -> memref<1x512xi32, #tpu.memory_space<vmem>>
    %dma_start3A_11 = tpu.memref_squeeze %dma_start3A_10 : memref<1x512xi32, #tpu.memory_space<vmem>> -> memref<512xi32, #tpu.memory_space<vmem>>
    %dma_start3A_12 = tpu.memref_slice %arg2[%add3A_4] : memref<3276800xi32, #tpu.memory_space<hbm>> -> memref<512xi32, #tpu.memory_space<hbm>>
    tpu.enqueue_dma source(%dma_start3A_12 : memref<512xi32, #tpu.memory_space<hbm>>) target(%dma_start3A_11 : memref<512xi32, #tpu.memory_space<vmem>>) target_semaphore(%arg7 : memref<!tpu.dma_semaphore, #tpu.memory_space<semaphore_mem>>)
    %add3A_13 = arith.constant 512 : i32
    %add3A_14 = arith.addi %mul3A_2, %add3A_13 : i32
    %dma_start3A_15 = arith.constant 1 : i32
    %dma_start3A_16 = arith.constant 0 : i32
    %dma_start3A_17 = tpu.memref_slice %arg5[%dma_start3A_15, %dma_start3A_16] : memref<5x512xi32, #tpu.memory_space<vmem>> -> memref<1x512xi32, #tpu.memory_space<vmem>>
    %dma_start3A_18 = tpu.memref_squeeze %dma_start3A_17 : memref<1x512xi32, #tpu.memory_space<vmem>> -> memref<512xi32, #tpu.memory_space<vmem>>
    %dma_start3A_19 = tpu.memref_slice %arg2[%add3A_14] : memref<3276800xi32, #tpu.memory_space<hbm>> -> memref<512xi32, #tpu.memory_space<hbm>>
    %dma_start3A_20 = arith.constant 0 : i32
    %dma_start3A_21 = tpu.memref_slice %arg5[%dma_start3A_15, %dma_start3A_20] : memref<5x512xi32, #tpu.memory_space<vmem>> -> memref<1x512xi32, #tpu.memory_space<vmem>>
    %dma_start3A_22 = tpu.memref_squeeze %dma_start3A_21 : memref<1x512xi32, #tpu.memory_space<vmem>> -> memref<512xi32, #tpu.memory_space<vmem>>
    %dma_start3A_23 = tpu.memref_slice %arg2[%add3A_14] : memref<3276800xi32, #tpu.memory_space<hbm>> -> memref<512xi32, #tpu.memory_space<hbm>>
    tpu.enqueue_dma source(%dma_start3A_23 : memref<512xi32, #tpu.memory_space<hbm>>) target(%dma_start3A_22 : memref<512xi32, #tpu.memory_space<vmem>>) target_semaphore(%arg8 : memref<!tpu.dma_semaphore, #tpu.memory_space<semaphore_mem>>)
    %add3A_24 = arith.constant 1024 : i32
    %add3A_25 = arith.addi %mul3A_2, %add3A_24 : i32
    %dma_start3A_26 = arith.constant 2 : i32
    %dma_start3A_27 = arith.constant 0 : i32
    %dma_start3A_28 = tpu.memref_slice %arg5[%dma_start3A_26, %dma_start3A_27] : memref<5x512xi32, #tpu.memory_space<vmem>> -> memref<1x512xi32, #tpu.memory_space<vmem>>
    %dma_start3A_29 = tpu.memref_squeeze %dma_start3A_28 : memref<1x512xi32, #tpu.memory_space<vmem>> -> memref<512xi32, #tpu.memory_space<vmem>>
    %dma_start3A_30 = tpu.memref_slice %arg2[%add3A_25] : memref<3276800xi32, #tpu.memory_space<hbm>> -> memref<512xi32, #tpu.memory_space<hbm>>
    %dma_start3A_31 = arith.constant 0 : i32
    %dma_start3A_32 = tpu.memref_slice %arg5[%dma_start3A_26, %dma_start3A_31] : memref<5x512xi32, #tpu.memory_space<vmem>> -> memref<1x512xi32, #tpu.memory_space<vmem>>
    %dma_start3A_33 = tpu.memref_squeeze %dma_start3A_32 : memref<1x512xi32, #tpu.memory_space<vmem>> -> memref<512xi32, #tpu.memory_space<vmem>>
    %dma_start3A_34 = tpu.memref_slice %arg2[%add3A_25] : memref<3276800xi32, #tpu.memory_space<hbm>> -> memref<512xi32, #tpu.memory_space<hbm>>
    tpu.enqueue_dma source(%dma_start3A_34 : memref<512xi32, #tpu.memory_space<hbm>>) target(%dma_start3A_33 : memref<512xi32, #tpu.memory_space<vmem>>) target_semaphore(%arg9 : memref<!tpu.dma_semaphore, #tpu.memory_space<semaphore_mem>>)
    %add3A_35 = arith.constant 1536 : i32
    %add3A_36 = arith.addi %mul3A_2, %add3A_35 : i32
    %dma_start3A_37 = arith.constant 3 : i32
    %dma_start3A_38 = arith.constant 0 : i32
    %dma_start3A_39 = tpu.memref_slice %arg5[%dma_start3A_37, %dma_start3A_38] : memref<5x512xi32, #tpu.memory_space<vmem>> -> memref<1x512xi32, #tpu.memory_space<vmem>>
    %dma_start3A_40 = tpu.memref_squeeze %dma_start3A_39 : memref<1x512xi32, #tpu.memory_space<vmem>> -> memref<512xi32, #tpu.memory_space<vmem>>
    %dma_start3A_41 = tpu.memref_slice %arg2[%add3A_36] : memref<3276800xi32, #tpu.memory_space<hbm>> -> memref<512xi32, #tpu.memory_space<hbm>>
    %dma_start3A_42 = arith.constant 0 : i32
    %dma_start3A_43 = tpu.memref_slice %arg5[%dma_start3A_37, %dma_start3A_42] : memref<5x512xi32, #tpu.memory_space<vmem>> -> memref<1x512xi32, #tpu.memory_space<vmem>>
    %dma_start3A_44 = tpu.memref_squeeze %dma_start3A_43 : memref<1x512xi32, #tpu.memory_space<vmem>> -> memref<512xi32, #tpu.memory_space<vmem>>
    %dma_start3A_45 = tpu.memref_slice %arg2[%add3A_36] : memref<3276800xi32, #tpu.memory_space<hbm>> -> memref<512xi32, #tpu.memory_space<hbm>>
    tpu.enqueue_dma source(%dma_start3A_45 : memref<512xi32, #tpu.memory_space<hbm>>) target(%dma_start3A_44 : memref<512xi32, #tpu.memory_space<vmem>>) target_semaphore(%arg10 : memref<!tpu.dma_semaphore, #tpu.memory_space<semaphore_mem>>)
    %add3A_46 = arith.constant 2048 : i32
    %add3A_47 = arith.addi %mul3A_2, %add3A_46 : i32
    %dma_start3A_48 = arith.constant 4 : i32
    %dma_start3A_49 = arith.constant 0 : i32
    %dma_start3A_50 = tpu.memref_slice %arg5[%dma_start3A_48, %dma_start3A_49] : memref<5x512xi32, #tpu.memory_space<vmem>> -> memref<1x512xi32, #tpu.memory_space<vmem>>
    %dma_start3A_51 = tpu.memref_squeeze %dma_start3A_50 : memref<1x512xi32, #tpu.memory_space<vmem>> -> memref<512xi32, #tpu.memory_space<vmem>>
    %dma_start3A_52 = tpu.memref_slice %arg2[%add3A_47] : memref<3276800xi32, #tpu.memory_space<hbm>> -> memref<512xi32, #tpu.memory_space<hbm>>
    %dma_start3A_53 = arith.constant 0 : i32
    %dma_start3A_54 = tpu.memref_slice %arg5[%dma_start3A_48, %dma_start3A_53] : memref<5x512xi32, #tpu.memory_space<vmem>> -> memref<1x512xi32, #tpu.memory_space<vmem>>
    %dma_start3A_55 = tpu.memref_squeeze %dma_start3A_54 : memref<1x512xi32, #tpu.memory_space<vmem>> -> memref<512xi32, #tpu.memory_space<vmem>>
    %dma_start3A_56 = tpu.memref_slice %arg2[%add3A_47] : memref<3276800xi32, #tpu.memory_space<hbm>> -> memref<512xi32, #tpu.memory_space<hbm>>
    tpu.enqueue_dma source(%dma_start3A_56 : memref<512xi32, #tpu.memory_space<hbm>>) target(%dma_start3A_55 : memref<512xi32, #tpu.memory_space<vmem>>) target_semaphore(%arg11 : memref<!tpu.dma_semaphore, #tpu.memory_space<semaphore_mem>>)
    %scan3A = arith.constant 0 : i32
    %scan3A_57 = arith.constant 0 : i32
    %scan3A_58 = arith.constant 40 : i32
    %scan3A_59 = arith.addi %scan3A_57, %scan3A_58 : i32
    %scan3A_60 = arith.constant 1 : i32
    scf.for %scan3A_217 = %scan3A_57 to %scan3A_59 step %scan3A_60  : i32 {
      %mul3A_218 = arith.constant 5 : i32
      %mul3A_219 = arith.muli %scan3A_217, %mul3A_218 : i32
      %add3A_220 = arith.constant 0 : i32
      %add3A_221 = arith.addi %mul3A_219, %add3A_220 : i32
      %mul3A_222 = arith.constant 512 : i32
      %mul3A_223 = arith.muli %add3A_221, %mul3A_222 : i32
      %add3A_224 = arith.addi %mul3A_2, %mul3A_223 : i32
      %dma_wait3A_225 = arith.constant 0 : i32
      %dma_wait3A_226 = arith.constant 0 : i32
      %dma_wait3A_227 = tpu.memref_slice %arg5[%dma_wait3A_225, %dma_wait3A_226] : memref<5x512xi32, #tpu.memory_space<vmem>> -> memref<1x512xi32, #tpu.memory_space<vmem>>
      %dma_wait3A_228 = tpu.memref_squeeze %dma_wait3A_227 : memref<1x512xi32, #tpu.memory_space<vmem>> -> memref<512xi32, #tpu.memory_space<vmem>>
      %dma_wait3A_229 = tpu.memref_slice %arg2[%add3A_224] : memref<3276800xi32, #tpu.memory_space<hbm>> -> memref<512xi32, #tpu.memory_space<hbm>>
      %dma_wait3A_230 = arith.constant 0 : i32
      %dma_wait3A_231 = tpu.memref_slice %arg5[%dma_wait3A_225, %dma_wait3A_230] : memref<5x512xi32, #tpu.memory_space<vmem>> -> memref<1x512xi32, #tpu.memory_space<vmem>>
      %dma_wait3A_232 = tpu.memref_squeeze %dma_wait3A_231 : memref<1x512xi32, #tpu.memory_space<vmem>> -> memref<512xi32, #tpu.memory_space<vmem>>
      %dma_wait3A_233 = tpu.memref_slice %arg2[%add3A_224] : memref<3276800xi32, #tpu.memory_space<hbm>> -> memref<512xi32, #tpu.memory_space<hbm>>
      tpu.wait_dma2 semaphore(%arg7 : memref<!tpu.dma_semaphore, #tpu.memory_space<semaphore_mem>>) src(%dma_wait3A_233 : memref<512xi32, #tpu.memory_space<hbm>>) dst(%dma_wait3A_232 : memref<512xi32, #tpu.memory_space<vmem>>)
      %ge3A = arith.constant 5 : i32
      %ge3A_234 = arith.cmpi sge, %add3A_221, %ge3A : i32
      %convert_element_type3A = arith.extui %ge3A_234 : i1 to i32
      %cond3A = arith.constant 0 : i32
      %cond3A_235 = arith.cmpi ne, %convert_element_type3A, %cond3A : i32
      scf.if %cond3A_235 {
        %sub3A_462 = arith.constant 5 : i32
        %sub3A_463 = arith.subi %add3A_221, %sub3A_462 : i32
        %mul3A_464 = arith.constant 512 : i32
        %mul3A_465 = arith.muli %sub3A_463, %mul3A_464 : i32
        %add3A_466 = arith.addi %mul3A_2, %mul3A_465 : i32
        %dma_wait3A_467 = arith.constant 0 : i32
        %dma_wait3A_468 = arith.constant 0 : i32
        %dma_wait3A_469 = arith.constant 0 : i32
        %dma_wait3A_470 = tpu.memref_slice %arg6[%dma_wait3A_467, %dma_wait3A_468, %dma_wait3A_469] : memref<5x512x32xf32, #tpu.memory_space<vmem>> -> memref<1x512x32xf32, #tpu.memory_space<vmem>>
        %dma_wait3A_471 = tpu.memref_squeeze %dma_wait3A_470 : memref<1x512x32xf32, #tpu.memory_space<vmem>> -> memref<512x32xf32, #tpu.memory_space<vmem>>
        %dma_wait3A_472 = arith.constant 0 : i32
        %dma_wait3A_473 = tpu.memref_slice %arg4[%add3A_466, %dma_wait3A_472] : memref<3276800x32xf32, #tpu.memory_space<hbm>> -> memref<512x32xf32, #tpu.memory_space<hbm>>
        %dma_wait3A_474 = arith.constant 0 : i32
        %dma_wait3A_475 = tpu.memref_slice %arg4[%add3A_466, %dma_wait3A_474] : memref<3276800x32xf32, #tpu.memory_space<hbm>> -> memref<512x32xf32, #tpu.memory_space<hbm>>
        %dma_wait3A_476 = arith.constant 0 : i32
        %dma_wait3A_477 = arith.constant 0 : i32
        %dma_wait3A_478 = tpu.memref_slice %arg6[%dma_wait3A_467, %dma_wait3A_476, %dma_wait3A_477] : memref<5x512x32xf32, #tpu.memory_space<vmem>> -> memref<1x512x32xf32, #tpu.memory_space<vmem>>
        %dma_wait3A_479 = tpu.memref_squeeze %dma_wait3A_478 : memref<1x512x32xf32, #tpu.memory_space<vmem>> -> memref<512x32xf32, #tpu.memory_space<vmem>>
        tpu.wait_dma2 semaphore(%arg17 : memref<!tpu.dma_semaphore, #tpu.memory_space<semaphore_mem>>) src(%dma_wait3A_479 : memref<512x32xf32, #tpu.memory_space<vmem>>) dst(%dma_wait3A_475 : memref<512x32xf32, #tpu.memory_space<hbm>>)
      } else {
      }
      %dma_start3A_236 = arith.constant 0 : i32
      %dma_start3A_237 = arith.constant 0 : i32
      %dma_start3A_238 = arith.constant 0 : i32
      %dma_start3A_239 = arith.constant 0 : i32
      %dma_start3A_240 = tpu.memref_slice %arg6[%dma_start3A_237, %dma_start3A_238, %dma_start3A_239] : memref<5x512x32xf32, #tpu.memory_space<vmem>> -> memref<1x512x32xf32, #tpu.memory_space<vmem>>
      %dma_start3A_241 = tpu.memref_squeeze %dma_start3A_240 : memref<1x512x32xf32, #tpu.memory_space<vmem>> -> memref<512x32xf32, #tpu.memory_space<vmem>>
      %dma_start3A_242 = arith.constant 0 : i32
      %dma_start3A_243 = tpu.memref_slice %arg5[%dma_start3A_236, %dma_start3A_242] : memref<5x512xi32, #tpu.memory_space<vmem>> -> memref<1x512xi32, #tpu.memory_space<vmem>>
      %dma_start3A_244 = tpu.memref_squeeze %dma_start3A_243 : memref<1x512xi32, #tpu.memory_space<vmem>> -> memref<512xi32, #tpu.memory_space<vmem>>
      %dma_start3A_245 = arith.constant 0 : i32
      %dma_start3A_246 = arith.constant 0 : i32
      %dma_start3A_247 = tpu.memref_slice %arg3[%dma_start3A_245, %dma_start3A_246] : memref<1000000x32xf32, #tpu.memory_space<hbm>> -> memref<1000000x32xf32, #tpu.memory_space<hbm>>
      tpu.enqueue_indirect_dma source(%dma_start3A_247 : memref<1000000x32xf32, #tpu.memory_space<hbm>>) target(%dma_start3A_241 : memref<512x32xf32, #tpu.memory_space<vmem>>) offsets(%dma_start3A_244 : memref<512xi32, #tpu.memory_space<vmem>>) semaphore(%arg12 : memref<!tpu.dma_semaphore, #tpu.memory_space<semaphore_mem>>)
      %ge3A_248 = arith.constant 3 : i32
      %ge3A_249 = arith.cmpi sge, %add3A_221, %ge3A_248 : i32
      %convert_element_type3A_250 = arith.extui %ge3A_249 : i1 to i32
      %cond3A_251 = arith.constant 0 : i32
      %cond3A_252 = arith.cmpi ne, %convert_element_type3A_250, %cond3A_251 : i32
      scf.if %cond3A_252 {
        %sub3A_462 = arith.constant 3 : i32
        %sub3A_463 = arith.subi %add3A_221, %sub3A_462 : i32
        %dma_wait3A_464 = arith.constant 2 : i32
        %dma_wait3A_465 = arith.constant 2 : i32
        %dma_wait3A_466 = arith.constant 0 : i32
        %dma_wait3A_467 = arith.constant 0 : i32
        %dma_wait3A_468 = tpu.memref_slice %arg6[%dma_wait3A_465, %dma_wait3A_466, %dma_wait3A_467] : memref<5x512x32xf32, #tpu.memory_space<vmem>> -> memref<1x512x32xf32, #tpu.memory_space<vmem>>
        %dma_wait3A_469 = tpu.memref_squeeze %dma_wait3A_468 : memref<1x512x32xf32, #tpu.memory_space<vmem>> -> memref<512x32xf32, #tpu.memory_space<vmem>>
        %dma_wait3A_470 = arith.constant 0 : i32
        %dma_wait3A_471 = tpu.memref_slice %arg5[%dma_wait3A_464, %dma_wait3A_470] : memref<5x512xi32, #tpu.memory_space<vmem>> -> memref<1x512xi32, #tpu.memory_space<vmem>>
        %dma_wait3A_472 = tpu.memref_squeeze %dma_wait3A_471 : memref<1x512xi32, #tpu.memory_space<vmem>> -> memref<512xi32, #tpu.memory_space<vmem>>
        %dma_wait3A_473 = arith.constant 0 : i32
        %dma_wait3A_474 = arith.constant 0 : i32
        %dma_wait3A_475 = tpu.memref_slice %arg3[%dma_wait3A_473, %dma_wait3A_474] : memref<1000000x32xf32, #tpu.memory_space<hbm>> -> memref<1000000x32xf32, #tpu.memory_space<hbm>>
        tpu.wait_indirect_dma semaphore(%arg14 : memref<!tpu.dma_semaphore, #tpu.memory_space<semaphore_mem>>) src(%dma_wait3A_475 : memref<1000000x32xf32, #tpu.memory_space<hbm>>) dst(%dma_wait3A_469 : memref<512x32xf32, #tpu.memory_space<vmem>>)
        %sub3A_476 = arith.constant 3 : i32
        %sub3A_477 = arith.subi %add3A_221, %sub3A_476 : i32
        %mul3A_478 = arith.constant 512 : i32
        %mul3A_479 = arith.muli %sub3A_477, %mul3A_478 : i32
        %add3A_480 = arith.addi %mul3A_2, %mul3A_479 : i32
        %dma_start3A_481 = arith.constant 2 : i32
        %dma_start3A_482 = arith.constant 0 : i32
        %dma_start3A_483 = arith.constant 0 : i32
        %dma_start3A_484 = tpu.memref_slice %arg6[%dma_start3A_481, %dma_start3A_482, %dma_start3A_483] : memref<5x512x32xf32, #tpu.memory_space<vmem>> -> memref<1x512x32xf32, #tpu.memory_space<vmem>>
        %dma_start3A_485 = tpu.memref_squeeze %dma_start3A_484 : memref<1x512x32xf32, #tpu.memory_space<vmem>> -> memref<512x32xf32, #tpu.memory_space<vmem>>
        %dma_start3A_486 = arith.constant 0 : i32
        %dma_start3A_487 = tpu.memref_slice %arg4[%add3A_480, %dma_start3A_486] : memref<3276800x32xf32, #tpu.memory_space<hbm>> -> memref<512x32xf32, #tpu.memory_space<hbm>>
        %dma_start3A_488 = arith.constant 0 : i32
        %dma_start3A_489 = tpu.memref_slice %arg4[%add3A_480, %dma_start3A_488] : memref<3276800x32xf32, #tpu.memory_space<hbm>> -> memref<512x32xf32, #tpu.memory_space<hbm>>
        %dma_start3A_490 = arith.constant 0 : i32
        %dma_start3A_491 = arith.constant 0 : i32
        %dma_start3A_492 = tpu.memref_slice %arg6[%dma_start3A_481, %dma_start3A_490, %dma_start3A_491] : memref<5x512x32xf32, #tpu.memory_space<vmem>> -> memref<1x512x32xf32, #tpu.memory_space<vmem>>
        %dma_start3A_493 = tpu.memref_squeeze %dma_start3A_492 : memref<1x512x32xf32, #tpu.memory_space<vmem>> -> memref<512x32xf32, #tpu.memory_space<vmem>>
        tpu.enqueue_dma source(%dma_start3A_493 : memref<512x32xf32, #tpu.memory_space<vmem>>) target(%dma_start3A_489 : memref<512x32xf32, #tpu.memory_space<hbm>>) target_semaphore(%arg19 : memref<!tpu.dma_semaphore, #tpu.memory_space<semaphore_mem>>)
      } else {
      }
      %ge3A_253 = arith.constant 3 : i32
      %ge3A_254 = arith.cmpi sge, %add3A_221, %ge3A_253 : i32
      %sub3A = arith.constant 3 : i32
      %sub3A_255 = arith.subi %add3A_221, %sub3A : i32
      %add3A_256 = arith.constant 5 : i32
      %add3A_257 = arith.addi %sub3A_255, %add3A_256 : i32
      %lt3A = arith.constant 200 : i32
      %lt3A_258 = arith.cmpi slt, %add3A_257, %lt3A : i32
      %and3A = arith.andi %ge3A_254, %lt3A_258 : i1
      %convert_element_type3A_259 = arith.extui %and3A : i1 to i32
      %cond3A_260 = arith.constant 0 : i32
      %cond3A_261 = arith.cmpi ne, %convert_element_type3A_259, %cond3A_260 : i32
      scf.if %cond3A_261 {
        %sub3A_462 = arith.constant 3 : i32
        %sub3A_463 = arith.subi %add3A_221, %sub3A_462 : i32
        %add3A_464 = arith.constant 5 : i32
        %add3A_465 = arith.addi %sub3A_463, %add3A_464 : i32
        %mul3A_466 = arith.constant 512 : i32
        %mul3A_467 = arith.muli %add3A_465, %mul3A_466 : i32
        %add3A_468 = arith.addi %mul3A_2, %mul3A_467 : i32
        %dma_start3A_469 = arith.constant 2 : i32
        %dma_start3A_470 = arith.constant 0 : i32
        %dma_start3A_471 = tpu.memref_slice %arg5[%dma_start3A_469, %dma_start3A_470] : memref<5x512xi32, #tpu.memory_space<vmem>> -> memref<1x512xi32, #tpu.memory_space<vmem>>
        %dma_start3A_472 = tpu.memref_squeeze %dma_start3A_471 : memref<1x512xi32, #tpu.memory_space<vmem>> -> memref<512xi32, #tpu.memory_space<vmem>>
        %dma_start3A_473 = tpu.memref_slice %arg2[%add3A_468] : memref<3276800xi32, #tpu.memory_space<hbm>> -> memref<512xi32, #tpu.memory_space<hbm>>
        %dma_start3A_474 = arith.constant 0 : i32
        %dma_start3A_475 = tpu.memref_slice %arg5[%dma_start3A_469, %dma_start3A_474] : memref<5x512xi32, #tpu.memory_space<vmem>> -> memref<1x512xi32, #tpu.memory_space<vmem>>
        %dma_start3A_476 = tpu.memref_squeeze %dma_start3A_475 : memref<1x512xi32, #tpu.memory_space<vmem>> -> memref<512xi32, #tpu.memory_space<vmem>>
        %dma_start3A_477 = tpu.memref_slice %arg2[%add3A_468] : memref<3276800xi32, #tpu.memory_space<hbm>> -> memref<512xi32, #tpu.memory_space<hbm>>
        tpu.enqueue_dma source(%dma_start3A_477 : memref<512xi32, #tpu.memory_space<hbm>>) target(%dma_start3A_476 : memref<512xi32, #tpu.memory_space<vmem>>) target_semaphore(%arg9 : memref<!tpu.dma_semaphore, #tpu.memory_space<semaphore_mem>>)
      } else {
      }
      %mul3A_262 = arith.constant 5 : i32
      %mul3A_263 = arith.muli %scan3A_217, %mul3A_262 : i32
      %add3A_264 = arith.constant 1 : i32
      %add3A_265 = arith.addi %mul3A_263, %add3A_264 : i32
      %mul3A_266 = arith.constant 512 : i32
      %mul3A_267 = arith.muli %add3A_265, %mul3A_266 : i32
      %add3A_268 = arith.addi %mul3A_2, %mul3A_267 : i32
      %dma_wait3A_269 = arith.constant 1 : i32
      %dma_wait3A_270 = arith.constant 0 : i32
      %dma_wait3A_271 = tpu.memref_slice %arg5[%dma_wait3A_269, %dma_wait3A_270] : memref<5x512xi32, #tpu.memory_space<vmem>> -> memref<1x512xi32, #tpu.memory_space<vmem>>
      %dma_wait3A_272 = tpu.memref_squeeze %dma_wait3A_271 : memref<1x512xi32, #tpu.memory_space<vmem>> -> memref<512xi32, #tpu.memory_space<vmem>>
      %dma_wait3A_273 = tpu.memref_slice %arg2[%add3A_268] : memref<3276800xi32, #tpu.memory_space<hbm>> -> memref<512xi32, #tpu.memory_space<hbm>>
      %dma_wait3A_274 = arith.constant 0 : i32
      %dma_wait3A_275 = tpu.memref_slice %arg5[%dma_wait3A_269, %dma_wait3A_274] : memref<5x512xi32, #tpu.memory_space<vmem>> -> memref<1x512xi32, #tpu.memory_space<vmem>>
      %dma_wait3A_276 = tpu.memref_squeeze %dma_wait3A_275 : memref<1x512xi32, #tpu.memory_space<vmem>> -> memref<512xi32, #tpu.memory_space<vmem>>
      %dma_wait3A_277 = tpu.memref_slice %arg2[%add3A_268] : memref<3276800xi32, #tpu.memory_space<hbm>> -> memref<512xi32, #tpu.memory_space<hbm>>
      tpu.wait_dma2 semaphore(%arg8 : memref<!tpu.dma_semaphore, #tpu.memory_space<semaphore_mem>>) src(%dma_wait3A_277 : memref<512xi32, #tpu.memory_space<hbm>>) dst(%dma_wait3A_276 : memref<512xi32, #tpu.memory_space<vmem>>)
      %ge3A_278 = arith.constant 5 : i32
      %ge3A_279 = arith.cmpi sge, %add3A_265, %ge3A_278 : i32
      %convert_element_type3A_280 = arith.extui %ge3A_279 : i1 to i32
      %cond3A_281 = arith.constant 0 : i32
      %cond3A_282 = arith.cmpi ne, %convert_element_type3A_280, %cond3A_281 : i32
      scf.if %cond3A_282 {
        %sub3A_462 = arith.constant 5 : i32
        %sub3A_463 = arith.subi %add3A_265, %sub3A_462 : i32
        %mul3A_464 = arith.constant 512 : i32
        %mul3A_465 = arith.muli %sub3A_463, %mul3A_464 : i32
        %add3A_466 = arith.addi %mul3A_2, %mul3A_465 : i32
        %dma_wait3A_467 = arith.constant 1 : i32
        %dma_wait3A_468 = arith.constant 0 : i32
        %dma_wait3A_469 = arith.constant 0 : i32
        %dma_wait3A_470 = tpu.memref_slice %arg6[%dma_wait3A_467, %dma_wait3A_468, %dma_wait3A_469] : memref<5x512x32xf32, #tpu.memory_space<vmem>> -> memref<1x512x32xf32, #tpu.memory_space<vmem>>
        %dma_wait3A_471 = tpu.memref_squeeze %dma_wait3A_470 : memref<1x512x32xf32, #tpu.memory_space<vmem>> -> memref<512x32xf32, #tpu.memory_space<vmem>>
        %dma_wait3A_472 = arith.constant 0 : i32
        %dma_wait3A_473 = tpu.memref_slice %arg4[%add3A_466, %dma_wait3A_472] : memref<3276800x32xf32, #tpu.memory_space<hbm>> -> memref<512x32xf32, #tpu.memory_space<hbm>>
        %dma_wait3A_474 = arith.constant 0 : i32
        %dma_wait3A_475 = tpu.memref_slice %arg4[%add3A_466, %dma_wait3A_474] : memref<3276800x32xf32, #tpu.memory_space<hbm>> -> memref<512x32xf32, #tpu.memory_space<hbm>>
        %dma_wait3A_476 = arith.constant 0 : i32
        %dma_wait3A_477 = arith.constant 0 : i32
        %dma_wait3A_478 = tpu.memref_slice %arg6[%dma_wait3A_467, %dma_wait3A_476, %dma_wait3A_477] : memref<5x512x32xf32, #tpu.memory_space<vmem>> -> memref<1x512x32xf32, #tpu.memory_space<vmem>>
        %dma_wait3A_479 = tpu.memref_squeeze %dma_wait3A_478 : memref<1x512x32xf32, #tpu.memory_space<vmem>> -> memref<512x32xf32, #tpu.memory_space<vmem>>
        tpu.wait_dma2 semaphore(%arg18 : memref<!tpu.dma_semaphore, #tpu.memory_space<semaphore_mem>>) src(%dma_wait3A_479 : memref<512x32xf32, #tpu.memory_space<vmem>>) dst(%dma_wait3A_475 : memref<512x32xf32, #tpu.memory_space<hbm>>)
      } else {
      }
      %dma_start3A_283 = arith.constant 1 : i32
      %dma_start3A_284 = arith.constant 1 : i32
      %dma_start3A_285 = arith.constant 0 : i32
      %dma_start3A_286 = arith.constant 0 : i32
      %dma_start3A_287 = tpu.memref_slice %arg6[%dma_start3A_284, %dma_start3A_285, %dma_start3A_286] : memref<5x512x32xf32, #tpu.memory_space<vmem>> -> memref<1x512x32xf32, #tpu.memory_space<vmem>>
      %dma_start3A_288 = tpu.memref_squeeze %dma_start3A_287 : memref<1x512x32xf32, #tpu.memory_space<vmem>> -> memref<512x32xf32, #tpu.memory_space<vmem>>
      %dma_start3A_289 = arith.constant 0 : i32
      %dma_start3A_290 = tpu.memref_slice %arg5[%dma_start3A_283, %dma_start3A_289] : memref<5x512xi32, #tpu.memory_space<vmem>> -> memref<1x512xi32, #tpu.memory_space<vmem>>
      %dma_start3A_291 = tpu.memref_squeeze %dma_start3A_290 : memref<1x512xi32, #tpu.memory_space<vmem>> -> memref<512xi32, #tpu.memory_space<vmem>>
      %dma_start3A_292 = arith.constant 0 : i32
      %dma_start3A_293 = arith.constant 0 : i32
      %dma_start3A_294 = tpu.memref_slice %arg3[%dma_start3A_292, %dma_start3A_293] : memref<1000000x32xf32, #tpu.memory_space<hbm>> -> memref<1000000x32xf32, #tpu.memory_space<hbm>>
      tpu.enqueue_indirect_dma source(%dma_start3A_294 : memref<1000000x32xf32, #tpu.memory_space<hbm>>) target(%dma_start3A_288 : memref<512x32xf32, #tpu.memory_space<vmem>>) offsets(%dma_start3A_291 : memref<512xi32, #tpu.memory_space<vmem>>) semaphore(%arg13 : memref<!tpu.dma_semaphore, #tpu.memory_space<semaphore_mem>>)
      %ge3A_295 = arith.constant 3 : i32
      %ge3A_296 = arith.cmpi sge, %add3A_265, %ge3A_295 : i32
      %convert_element_type3A_297 = arith.extui %ge3A_296 : i1 to i32
      %cond3A_298 = arith.constant 0 : i32
      %cond3A_299 = arith.cmpi ne, %convert_element_type3A_297, %cond3A_298 : i32
      scf.if %cond3A_299 {
        %sub3A_462 = arith.constant 3 : i32
        %sub3A_463 = arith.subi %add3A_265, %sub3A_462 : i32
        %dma_wait3A_464 = arith.constant 3 : i32
        %dma_wait3A_465 = arith.constant 3 : i32
        %dma_wait3A_466 = arith.constant 0 : i32
        %dma_wait3A_467 = arith.constant 0 : i32
        %dma_wait3A_468 = tpu.memref_slice %arg6[%dma_wait3A_465, %dma_wait3A_466, %dma_wait3A_467] : memref<5x512x32xf32, #tpu.memory_space<vmem>> -> memref<1x512x32xf32, #tpu.memory_space<vmem>>
        %dma_wait3A_469 = tpu.memref_squeeze %dma_wait3A_468 : memref<1x512x32xf32, #tpu.memory_space<vmem>> -> memref<512x32xf32, #tpu.memory_space<vmem>>
        %dma_wait3A_470 = arith.constant 0 : i32
        %dma_wait3A_471 = tpu.memref_slice %arg5[%dma_wait3A_464, %dma_wait3A_470] : memref<5x512xi32, #tpu.memory_space<vmem>> -> memref<1x512xi32, #tpu.memory_space<vmem>>
        %dma_wait3A_472 = tpu.memref_squeeze %dma_wait3A_471 : memref<1x512xi32, #tpu.memory_space<vmem>> -> memref<512xi32, #tpu.memory_space<vmem>>
        %dma_wait3A_473 = arith.constant 0 : i32
        %dma_wait3A_474 = arith.constant 0 : i32
        %dma_wait3A_475 = tpu.memref_slice %arg3[%dma_wait3A_473, %dma_wait3A_474] : memref<1000000x32xf32, #tpu.memory_space<hbm>> -> memref<1000000x32xf32, #tpu.memory_space<hbm>>
        tpu.wait_indirect_dma semaphore(%arg15 : memref<!tpu.dma_semaphore, #tpu.memory_space<semaphore_mem>>) src(%dma_wait3A_475 : memref<1000000x32xf32, #tpu.memory_space<hbm>>) dst(%dma_wait3A_469 : memref<512x32xf32, #tpu.memory_space<vmem>>)
        %sub3A_476 = arith.constant 3 : i32
        %sub3A_477 = arith.subi %add3A_265, %sub3A_476 : i32
        %mul3A_478 = arith.constant 512 : i32
        %mul3A_479 = arith.muli %sub3A_477, %mul3A_478 : i32
        %add3A_480 = arith.addi %mul3A_2, %mul3A_479 : i32
        %dma_start3A_481 = arith.constant 3 : i32
        %dma_start3A_482 = arith.constant 0 : i32
        %dma_start3A_483 = arith.constant 0 : i32
        %dma_start3A_484 = tpu.memref_slice %arg6[%dma_start3A_481, %dma_start3A_482, %dma_start3A_483] : memref<5x512x32xf32, #tpu.memory_space<vmem>> -> memref<1x512x32xf32, #tpu.memory_space<vmem>>
        %dma_start3A_485 = tpu.memref_squeeze %dma_start3A_484 : memref<1x512x32xf32, #tpu.memory_space<vmem>> -> memref<512x32xf32, #tpu.memory_space<vmem>>
        %dma_start3A_486 = arith.constant 0 : i32
        %dma_start3A_487 = tpu.memref_slice %arg4[%add3A_480, %dma_start3A_486] : memref<3276800x32xf32, #tpu.memory_space<hbm>> -> memref<512x32xf32, #tpu.memory_space<hbm>>
        %dma_start3A_488 = arith.constant 0 : i32
        %dma_start3A_489 = tpu.memref_slice %arg4[%add3A_480, %dma_start3A_488] : memref<3276800x32xf32, #tpu.memory_space<hbm>> -> memref<512x32xf32, #tpu.memory_space<hbm>>
        %dma_start3A_490 = arith.constant 0 : i32
        %dma_start3A_491 = arith.constant 0 : i32
        %dma_start3A_492 = tpu.memref_slice %arg6[%dma_start3A_481, %dma_start3A_490, %dma_start3A_491] : memref<5x512x32xf32, #tpu.memory_space<vmem>> -> memref<1x512x32xf32, #tpu.memory_space<vmem>>
        %dma_start3A_493 = tpu.memref_squeeze %dma_start3A_492 : memref<1x512x32xf32, #tpu.memory_space<vmem>> -> memref<512x32xf32, #tpu.memory_space<vmem>>
        tpu.enqueue_dma source(%dma_start3A_493 : memref<512x32xf32, #tpu.memory_space<vmem>>) target(%dma_start3A_489 : memref<512x32xf32, #tpu.memory_space<hbm>>) target_semaphore(%arg20 : memref<!tpu.dma_semaphore, #tpu.memory_space<semaphore_mem>>)
      } else {
      }
      %ge3A_300 = arith.constant 3 : i32
      %ge3A_301 = arith.cmpi sge, %add3A_265, %ge3A_300 : i32
      %sub3A_302 = arith.constant 3 : i32
      %sub3A_303 = arith.subi %add3A_265, %sub3A_302 : i32
      %add3A_304 = arith.constant 5 : i32
      %add3A_305 = arith.addi %sub3A_303, %add3A_304 : i32
      %lt3A_306 = arith.constant 200 : i32
      %lt3A_307 = arith.cmpi slt, %add3A_305, %lt3A_306 : i32
      %and3A_308 = arith.andi %ge3A_301, %lt3A_307 : i1
      %convert_element_type3A_309 = arith.extui %and3A_308 : i1 to i32
      %cond3A_310 = arith.constant 0 : i32
      %cond3A_311 = arith.cmpi ne, %convert_element_type3A_309, %cond3A_310 : i32
      scf.if %cond3A_311 {
        %sub3A_462 = arith.constant 3 : i32
        %sub3A_463 = arith.subi %add3A_265, %sub3A_462 : i32
        %add3A_464 = arith.constant 5 : i32
        %add3A_465 = arith.addi %sub3A_463, %add3A_464 : i32
        %mul3A_466 = arith.constant 512 : i32
        %mul3A_467 = arith.muli %add3A_465, %mul3A_466 : i32
        %add3A_468 = arith.addi %mul3A_2, %mul3A_467 : i32
        %dma_start3A_469 = arith.constant 3 : i32
        %dma_start3A_470 = arith.constant 0 : i32
        %dma_start3A_471 = tpu.memref_slice %arg5[%dma_start3A_469, %dma_start3A_470] : memref<5x512xi32, #tpu.memory_space<vmem>> -> memref<1x512xi32, #tpu.memory_space<vmem>>
        %dma_start3A_472 = tpu.memref_squeeze %dma_start3A_471 : memref<1x512xi32, #tpu.memory_space<vmem>> -> memref<512xi32, #tpu.memory_space<vmem>>
        %dma_start3A_473 = tpu.memref_slice %arg2[%add3A_468] : memref<3276800xi32, #tpu.memory_space<hbm>> -> memref<512xi32, #tpu.memory_space<hbm>>
        %dma_start3A_474 = arith.constant 0 : i32
        %dma_start3A_475 = tpu.memref_slice %arg5[%dma_start3A_469, %dma_start3A_474] : memref<5x512xi32, #tpu.memory_space<vmem>> -> memref<1x512xi32, #tpu.memory_space<vmem>>
        %dma_start3A_476 = tpu.memref_squeeze %dma_start3A_475 : memref<1x512xi32, #tpu.memory_space<vmem>> -> memref<512xi32, #tpu.memory_space<vmem>>
        %dma_start3A_477 = tpu.memref_slice %arg2[%add3A_468] : memref<3276800xi32, #tpu.memory_space<hbm>> -> memref<512xi32, #tpu.memory_space<hbm>>
        tpu.enqueue_dma source(%dma_start3A_477 : memref<512xi32, #tpu.memory_space<hbm>>) target(%dma_start3A_476 : memref<512xi32, #tpu.memory_space<vmem>>) target_semaphore(%arg10 : memref<!tpu.dma_semaphore, #tpu.memory_space<semaphore_mem>>)
      } else {
      }
      %mul3A_312 = arith.constant 5 : i32
      %mul3A_313 = arith.muli %scan3A_217, %mul3A_312 : i32
      %add3A_314 = arith.constant 2 : i32
      %add3A_315 = arith.addi %mul3A_313, %add3A_314 : i32
      %mul3A_316 = arith.constant 512 : i32
      %mul3A_317 = arith.muli %add3A_315, %mul3A_316 : i32
      %add3A_318 = arith.addi %mul3A_2, %mul3A_317 : i32
      %dma_wait3A_319 = arith.constant 2 : i32
      %dma_wait3A_320 = arith.constant 0 : i32
      %dma_wait3A_321 = tpu.memref_slice %arg5[%dma_wait3A_319, %dma_wait3A_320] : memref<5x512xi32, #tpu.memory_space<vmem>> -> memref<1x512xi32, #tpu.memory_space<vmem>>
      %dma_wait3A_322 = tpu.memref_squeeze %dma_wait3A_321 : memref<1x512xi32, #tpu.memory_space<vmem>> -> memref<512xi32, #tpu.memory_space<vmem>>
      %dma_wait3A_323 = tpu.memref_slice %arg2[%add3A_318] : memref<3276800xi32, #tpu.memory_space<hbm>> -> memref<512xi32, #tpu.memory_space<hbm>>
      %dma_wait3A_324 = arith.constant 0 : i32
      %dma_wait3A_325 = tpu.memref_slice %arg5[%dma_wait3A_319, %dma_wait3A_324] : memref<5x512xi32, #tpu.memory_space<vmem>> -> memref<1x512xi32, #tpu.memory_space<vmem>>
      %dma_wait3A_326 = tpu.memref_squeeze %dma_wait3A_325 : memref<1x512xi32, #tpu.memory_space<vmem>> -> memref<512xi32, #tpu.memory_space<vmem>>
      %dma_wait3A_327 = tpu.memref_slice %arg2[%add3A_318] : memref<3276800xi32, #tpu.memory_space<hbm>> -> memref<512xi32, #tpu.memory_space<hbm>>
      tpu.wait_dma2 semaphore(%arg9 : memref<!tpu.dma_semaphore, #tpu.memory_space<semaphore_mem>>) src(%dma_wait3A_327 : memref<512xi32, #tpu.memory_space<hbm>>) dst(%dma_wait3A_326 : memref<512xi32, #tpu.memory_space<vmem>>)
      %ge3A_328 = arith.constant 5 : i32
      %ge3A_329 = arith.cmpi sge, %add3A_315, %ge3A_328 : i32
      %convert_element_type3A_330 = arith.extui %ge3A_329 : i1 to i32
      %cond3A_331 = arith.constant 0 : i32
      %cond3A_332 = arith.cmpi ne, %convert_element_type3A_330, %cond3A_331 : i32
      scf.if %cond3A_332 {
        %sub3A_462 = arith.constant 5 : i32
        %sub3A_463 = arith.subi %add3A_315, %sub3A_462 : i32
        %mul3A_464 = arith.constant 512 : i32
        %mul3A_465 = arith.muli %sub3A_463, %mul3A_464 : i32
        %add3A_466 = arith.addi %mul3A_2, %mul3A_465 : i32
        %dma_wait3A_467 = arith.constant 2 : i32
        %dma_wait3A_468 = arith.constant 0 : i32
        %dma_wait3A_469 = arith.constant 0 : i32
        %dma_wait3A_470 = tpu.memref_slice %arg6[%dma_wait3A_467, %dma_wait3A_468, %dma_wait3A_469] : memref<5x512x32xf32, #tpu.memory_space<vmem>> -> memref<1x512x32xf32, #tpu.memory_space<vmem>>
        %dma_wait3A_471 = tpu.memref_squeeze %dma_wait3A_470 : memref<1x512x32xf32, #tpu.memory_space<vmem>> -> memref<512x32xf32, #tpu.memory_space<vmem>>
        %dma_wait3A_472 = arith.constant 0 : i32
        %dma_wait3A_473 = tpu.memref_slice %arg4[%add3A_466, %dma_wait3A_472] : memref<3276800x32xf32, #tpu.memory_space<hbm>> -> memref<512x32xf32, #tpu.memory_space<hbm>>
        %dma_wait3A_474 = arith.constant 0 : i32
        %dma_wait3A_475 = tpu.memref_slice %arg4[%add3A_466, %dma_wait3A_474] : memref<3276800x32xf32, #tpu.memory_space<hbm>> -> memref<512x32xf32, #tpu.memory_space<hbm>>
        %dma_wait3A_476 = arith.constant 0 : i32
        %dma_wait3A_477 = arith.constant 0 : i32
        %dma_wait3A_478 = tpu.memref_slice %arg6[%dma_wait3A_467, %dma_wait3A_476, %dma_wait3A_477] : memref<5x512x32xf32, #tpu.memory_space<vmem>> -> memref<1x512x32xf32, #tpu.memory_space<vmem>>
        %dma_wait3A_479 = tpu.memref_squeeze %dma_wait3A_478 : memref<1x512x32xf32, #tpu.memory_space<vmem>> -> memref<512x32xf32, #tpu.memory_space<vmem>>
        tpu.wait_dma2 semaphore(%arg19 : memref<!tpu.dma_semaphore, #tpu.memory_space<semaphore_mem>>) src(%dma_wait3A_479 : memref<512x32xf32, #tpu.memory_space<vmem>>) dst(%dma_wait3A_475 : memref<512x32xf32, #tpu.memory_space<hbm>>)
      } else {
      }
      %dma_start3A_333 = arith.constant 2 : i32
      %dma_start3A_334 = arith.constant 2 : i32
      %dma_start3A_335 = arith.constant 0 : i32
      %dma_start3A_336 = arith.constant 0 : i32
      %dma_start3A_337 = tpu.memref_slice %arg6[%dma_start3A_334, %dma_start3A_335, %dma_start3A_336] : memref<5x512x32xf32, #tpu.memory_space<vmem>> -> memref<1x512x32xf32, #tpu.memory_space<vmem>>
      %dma_start3A_338 = tpu.memref_squeeze %dma_start3A_337 : memref<1x512x32xf32, #tpu.memory_space<vmem>> -> memref<512x32xf32, #tpu.memory_space<vmem>>
      %dma_start3A_339 = arith.constant 0 : i32
      %dma_start3A_340 = tpu.memref_slice %arg5[%dma_start3A_333, %dma_start3A_339] : memref<5x512xi32, #tpu.memory_space<vmem>> -> memref<1x512xi32, #tpu.memory_space<vmem>>
      %dma_start3A_341 = tpu.memref_squeeze %dma_start3A_340 : memref<1x512xi32, #tpu.memory_space<vmem>> -> memref<512xi32, #tpu.memory_space<vmem>>
      %dma_start3A_342 = arith.constant 0 : i32
      %dma_start3A_343 = arith.constant 0 : i32
      %dma_start3A_344 = tpu.memref_slice %arg3[%dma_start3A_342, %dma_start3A_343] : memref<1000000x32xf32, #tpu.memory_space<hbm>> -> memref<1000000x32xf32, #tpu.memory_space<hbm>>
      tpu.enqueue_indirect_dma source(%dma_start3A_344 : memref<1000000x32xf32, #tpu.memory_space<hbm>>) target(%dma_start3A_338 : memref<512x32xf32, #tpu.memory_space<vmem>>) offsets(%dma_start3A_341 : memref<512xi32, #tpu.memory_space<vmem>>) semaphore(%arg14 : memref<!tpu.dma_semaphore, #tpu.memory_space<semaphore_mem>>)
      %ge3A_345 = arith.constant 3 : i32
      %ge3A_346 = arith.cmpi sge, %add3A_315, %ge3A_345 : i32
      %convert_element_type3A_347 = arith.extui %ge3A_346 : i1 to i32
      %cond3A_348 = arith.constant 0 : i32
      %cond3A_349 = arith.cmpi ne, %convert_element_type3A_347, %cond3A_348 : i32
      scf.if %cond3A_349 {
        %sub3A_462 = arith.constant 3 : i32
        %sub3A_463 = arith.subi %add3A_315, %sub3A_462 : i32
        %dma_wait3A_464 = arith.constant 4 : i32
        %dma_wait3A_465 = arith.constant 4 : i32
        %dma_wait3A_466 = arith.constant 0 : i32
        %dma_wait3A_467 = arith.constant 0 : i32
        %dma_wait3A_468 = tpu.memref_slice %arg6[%dma_wait3A_465, %dma_wait3A_466, %dma_wait3A_467] : memref<5x512x32xf32, #tpu.memory_space<vmem>> -> memref<1x512x32xf32, #tpu.memory_space<vmem>>
        %dma_wait3A_469 = tpu.memref_squeeze %dma_wait3A_468 : memref<1x512x32xf32, #tpu.memory_space<vmem>> -> memref<512x32xf32, #tpu.memory_space<vmem>>
        %dma_wait3A_470 = arith.constant 0 : i32
        %dma_wait3A_471 = tpu.memref_slice %arg5[%dma_wait3A_464, %dma_wait3A_470] : memref<5x512xi32, #tpu.memory_space<vmem>> -> memref<1x512xi32, #tpu.memory_space<vmem>>
        %dma_wait3A_472 = tpu.memref_squeeze %dma_wait3A_471 : memref<1x512xi32, #tpu.memory_space<vmem>> -> memref<512xi32, #tpu.memory_space<vmem>>
        %dma_wait3A_473 = arith.constant 0 : i32
        %dma_wait3A_474 = arith.constant 0 : i32
        %dma_wait3A_475 = tpu.memref_slice %arg3[%dma_wait3A_473, %dma_wait3A_474] : memref<1000000x32xf32, #tpu.memory_space<hbm>> -> memref<1000000x32xf32, #tpu.memory_space<hbm>>
        tpu.wait_indirect_dma semaphore(%arg16 : memref<!tpu.dma_semaphore, #tpu.memory_space<semaphore_mem>>) src(%dma_wait3A_475 : memref<1000000x32xf32, #tpu.memory_space<hbm>>) dst(%dma_wait3A_469 : memref<512x32xf32, #tpu.memory_space<vmem>>)
        %sub3A_476 = arith.constant 3 : i32
        %sub3A_477 = arith.subi %add3A_315, %sub3A_476 : i32
        %mul3A_478 = arith.constant 512 : i32
        %mul3A_479 = arith.muli %sub3A_477, %mul3A_478 : i32
        %add3A_480 = arith.addi %mul3A_2, %mul3A_479 : i32
        %dma_start3A_481 = arith.constant 4 : i32
        %dma_start3A_482 = arith.constant 0 : i32
        %dma_start3A_483 = arith.constant 0 : i32
        %dma_start3A_484 = tpu.memref_slice %arg6[%dma_start3A_481, %dma_start3A_482, %dma_start3A_483] : memref<5x512x32xf32, #tpu.memory_space<vmem>> -> memref<1x512x32xf32, #tpu.memory_space<vmem>>
        %dma_start3A_485 = tpu.memref_squeeze %dma_start3A_484 : memref<1x512x32xf32, #tpu.memory_space<vmem>> -> memref<512x32xf32, #tpu.memory_space<vmem>>
        %dma_start3A_486 = arith.constant 0 : i32
        %dma_start3A_487 = tpu.memref_slice %arg4[%add3A_480, %dma_start3A_486] : memref<3276800x32xf32, #tpu.memory_space<hbm>> -> memref<512x32xf32, #tpu.memory_space<hbm>>
        %dma_start3A_488 = arith.constant 0 : i32
        %dma_start3A_489 = tpu.memref_slice %arg4[%add3A_480, %dma_start3A_488] : memref<3276800x32xf32, #tpu.memory_space<hbm>> -> memref<512x32xf32, #tpu.memory_space<hbm>>
        %dma_start3A_490 = arith.constant 0 : i32
        %dma_start3A_491 = arith.constant 0 : i32
        %dma_start3A_492 = tpu.memref_slice %arg6[%dma_start3A_481, %dma_start3A_490, %dma_start3A_491] : memref<5x512x32xf32, #tpu.memory_space<vmem>> -> memref<1x512x32xf32, #tpu.memory_space<vmem>>
        %dma_start3A_493 = tpu.memref_squeeze %dma_start3A_492 : memref<1x512x32xf32, #tpu.memory_space<vmem>> -> memref<512x32xf32, #tpu.memory_space<vmem>>
        tpu.enqueue_dma source(%dma_start3A_493 : memref<512x32xf32, #tpu.memory_space<vmem>>) target(%dma_start3A_489 : memref<512x32xf32, #tpu.memory_space<hbm>>) target_semaphore(%arg21 : memref<!tpu.dma_semaphore, #tpu.memory_space<semaphore_mem>>)
      } else {
      }
      %ge3A_350 = arith.constant 3 : i32
      %ge3A_351 = arith.cmpi sge, %add3A_315, %ge3A_350 : i32
      %sub3A_352 = arith.constant 3 : i32
      %sub3A_353 = arith.subi %add3A_315, %sub3A_352 : i32
      %add3A_354 = arith.constant 5 : i32
      %add3A_355 = arith.addi %sub3A_353, %add3A_354 : i32
      %lt3A_356 = arith.constant 200 : i32
      %lt3A_357 = arith.cmpi slt, %add3A_355, %lt3A_356 : i32
      %and3A_358 = arith.andi %ge3A_351, %lt3A_357 : i1
      %convert_element_type3A_359 = arith.extui %and3A_358 : i1 to i32
      %cond3A_360 = arith.constant 0 : i32
      %cond3A_361 = arith.cmpi ne, %convert_element_type3A_359, %cond3A_360 : i32
      scf.if %cond3A_361 {
        %sub3A_462 = arith.constant 3 : i32
        %sub3A_463 = arith.subi %add3A_315, %sub3A_462 : i32
        %add3A_464 = arith.constant 5 : i32
        %add3A_465 = arith.addi %sub3A_463, %add3A_464 : i32
        %mul3A_466 = arith.constant 512 : i32
        %mul3A_467 = arith.muli %add3A_465, %mul3A_466 : i32
        %add3A_468 = arith.addi %mul3A_2, %mul3A_467 : i32
        %dma_start3A_469 = arith.constant 4 : i32
        %dma_start3A_470 = arith.constant 0 : i32
        %dma_start3A_471 = tpu.memref_slice %arg5[%dma_start3A_469, %dma_start3A_470] : memref<5x512xi32, #tpu.memory_space<vmem>> -> memref<1x512xi32, #tpu.memory_space<vmem>>
        %dma_start3A_472 = tpu.memref_squeeze %dma_start3A_471 : memref<1x512xi32, #tpu.memory_space<vmem>> -> memref<512xi32, #tpu.memory_space<vmem>>
        %dma_start3A_473 = tpu.memref_slice %arg2[%add3A_468] : memref<3276800xi32, #tpu.memory_space<hbm>> -> memref<512xi32, #tpu.memory_space<hbm>>
        %dma_start3A_474 = arith.constant 0 : i32
        %dma_start3A_475 = tpu.memref_slice %arg5[%dma_start3A_469, %dma_start3A_474] : memref<5x512xi32, #tpu.memory_space<vmem>> -> memref<1x512xi32, #tpu.memory_space<vmem>>
        %dma_start3A_476 = tpu.memref_squeeze %dma_start3A_475 : memref<1x512xi32, #tpu.memory_space<vmem>> -> memref<512xi32, #tpu.memory_space<vmem>>
        %dma_start3A_477 = tpu.memref_slice %arg2[%add3A_468] : memref<3276800xi32, #tpu.memory_space<hbm>> -> memref<512xi32, #tpu.memory_space<hbm>>
        tpu.enqueue_dma source(%dma_start3A_477 : memref<512xi32, #tpu.memory_space<hbm>>) target(%dma_start3A_476 : memref<512xi32, #tpu.memory_space<vmem>>) target_semaphore(%arg11 : memref<!tpu.dma_semaphore, #tpu.memory_space<semaphore_mem>>)
      } else {
      }
      %mul3A_362 = arith.constant 5 : i32
      %mul3A_363 = arith.muli %scan3A_217, %mul3A_362 : i32
      %add3A_364 = arith.constant 3 : i32
      %add3A_365 = arith.addi %mul3A_363, %add3A_364 : i32
      %mul3A_366 = arith.constant 512 : i32
      %mul3A_367 = arith.muli %add3A_365, %mul3A_366 : i32
      %add3A_368 = arith.addi %mul3A_2, %mul3A_367 : i32
      %dma_wait3A_369 = arith.constant 3 : i32
      %dma_wait3A_370 = arith.constant 0 : i32
      %dma_wait3A_371 = tpu.memref_slice %arg5[%dma_wait3A_369, %dma_wait3A_370] : memref<5x512xi32, #tpu.memory_space<vmem>> -> memref<1x512xi32, #tpu.memory_space<vmem>>
      %dma_wait3A_372 = tpu.memref_squeeze %dma_wait3A_371 : memref<1x512xi32, #tpu.memory_space<vmem>> -> memref<512xi32, #tpu.memory_space<vmem>>
      %dma_wait3A_373 = tpu.memref_slice %arg2[%add3A_368] : memref<3276800xi32, #tpu.memory_space<hbm>> -> memref<512xi32, #tpu.memory_space<hbm>>
      %dma_wait3A_374 = arith.constant 0 : i32
      %dma_wait3A_375 = tpu.memref_slice %arg5[%dma_wait3A_369, %dma_wait3A_374] : memref<5x512xi32, #tpu.memory_space<vmem>> -> memref<1x512xi32, #tpu.memory_space<vmem>>
      %dma_wait3A_376 = tpu.memref_squeeze %dma_wait3A_375 : memref<1x512xi32, #tpu.memory_space<vmem>> -> memref<512xi32, #tpu.memory_space<vmem>>
      %dma_wait3A_377 = tpu.memref_slice %arg2[%add3A_368] : memref<3276800xi32, #tpu.memory_space<hbm>> -> memref<512xi32, #tpu.memory_space<hbm>>
      tpu.wait_dma2 semaphore(%arg10 : memref<!tpu.dma_semaphore, #tpu.memory_space<semaphore_mem>>) src(%dma_wait3A_377 : memref<512xi32, #tpu.memory_space<hbm>>) dst(%dma_wait3A_376 : memref<512xi32, #tpu.memory_space<vmem>>)
      %ge3A_378 = arith.constant 5 : i32
      %ge3A_379 = arith.cmpi sge, %add3A_365, %ge3A_378 : i32
      %convert_element_type3A_380 = arith.extui %ge3A_379 : i1 to i32
      %cond3A_381 = arith.constant 0 : i32
      %cond3A_382 = arith.cmpi ne, %convert_element_type3A_380, %cond3A_381 : i32
      scf.if %cond3A_382 {
        %sub3A_462 = arith.constant 5 : i32
        %sub3A_463 = arith.subi %add3A_365, %sub3A_462 : i32
        %mul3A_464 = arith.constant 512 : i32
        %mul3A_465 = arith.muli %sub3A_463, %mul3A_464 : i32
        %add3A_466 = arith.addi %mul3A_2, %mul3A_465 : i32
        %dma_wait3A_467 = arith.constant 3 : i32
        %dma_wait3A_468 = arith.constant 0 : i32
        %dma_wait3A_469 = arith.constant 0 : i32
        %dma_wait3A_470 = tpu.memref_slice %arg6[%dma_wait3A_467, %dma_wait3A_468, %dma_wait3A_469] : memref<5x512x32xf32, #tpu.memory_space<vmem>> -> memref<1x512x32xf32, #tpu.memory_space<vmem>>
        %dma_wait3A_471 = tpu.memref_squeeze %dma_wait3A_470 : memref<1x512x32xf32, #tpu.memory_space<vmem>> -> memref<512x32xf32, #tpu.memory_space<vmem>>
        %dma_wait3A_472 = arith.constant 0 : i32
        %dma_wait3A_473 = tpu.memref_slice %arg4[%add3A_466, %dma_wait3A_472] : memref<3276800x32xf32, #tpu.memory_space<hbm>> -> memref<512x32xf32, #tpu.memory_space<hbm>>
        %dma_wait3A_474 = arith.constant 0 : i32
        %dma_wait3A_475 = tpu.memref_slice %arg4[%add3A_466, %dma_wait3A_474] : memref<3276800x32xf32, #tpu.memory_space<hbm>> -> memref<512x32xf32, #tpu.memory_space<hbm>>
        %dma_wait3A_476 = arith.constant 0 : i32
        %dma_wait3A_477 = arith.constant 0 : i32
        %dma_wait3A_478 = tpu.memref_slice %arg6[%dma_wait3A_467, %dma_wait3A_476, %dma_wait3A_477] : memref<5x512x32xf32, #tpu.memory_space<vmem>> -> memref<1x512x32xf32, #tpu.memory_space<vmem>>
        %dma_wait3A_479 = tpu.memref_squeeze %dma_wait3A_478 : memref<1x512x32xf32, #tpu.memory_space<vmem>> -> memref<512x32xf32, #tpu.memory_space<vmem>>
        tpu.wait_dma2 semaphore(%arg20 : memref<!tpu.dma_semaphore, #tpu.memory_space<semaphore_mem>>) src(%dma_wait3A_479 : memref<512x32xf32, #tpu.memory_space<vmem>>) dst(%dma_wait3A_475 : memref<512x32xf32, #tpu.memory_space<hbm>>)
      } else {
      }
      %dma_start3A_383 = arith.constant 3 : i32
      %dma_start3A_384 = arith.constant 3 : i32
      %dma_start3A_385 = arith.constant 0 : i32
      %dma_start3A_386 = arith.constant 0 : i32
      %dma_start3A_387 = tpu.memref_slice %arg6[%dma_start3A_384, %dma_start3A_385, %dma_start3A_386] : memref<5x512x32xf32, #tpu.memory_space<vmem>> -> memref<1x512x32xf32, #tpu.memory_space<vmem>>
      %dma_start3A_388 = tpu.memref_squeeze %dma_start3A_387 : memref<1x512x32xf32, #tpu.memory_space<vmem>> -> memref<512x32xf32, #tpu.memory_space<vmem>>
      %dma_start3A_389 = arith.constant 0 : i32
      %dma_start3A_390 = tpu.memref_slice %arg5[%dma_start3A_383, %dma_start3A_389] : memref<5x512xi32, #tpu.memory_space<vmem>> -> memref<1x512xi32, #tpu.memory_space<vmem>>
      %dma_start3A_391 = tpu.memref_squeeze %dma_start3A_390 : memref<1x512xi32, #tpu.memory_space<vmem>> -> memref<512xi32, #tpu.memory_space<vmem>>
      %dma_start3A_392 = arith.constant 0 : i32
      %dma_start3A_393 = arith.constant 0 : i32
      %dma_start3A_394 = tpu.memref_slice %arg3[%dma_start3A_392, %dma_start3A_393] : memref<1000000x32xf32, #tpu.memory_space<hbm>> -> memref<1000000x32xf32, #tpu.memory_space<hbm>>
      tpu.enqueue_indirect_dma source(%dma_start3A_394 : memref<1000000x32xf32, #tpu.memory_space<hbm>>) target(%dma_start3A_388 : memref<512x32xf32, #tpu.memory_space<vmem>>) offsets(%dma_start3A_391 : memref<512xi32, #tpu.memory_space<vmem>>) semaphore(%arg15 : memref<!tpu.dma_semaphore, #tpu.memory_space<semaphore_mem>>)
      %ge3A_395 = arith.constant 3 : i32
      %ge3A_396 = arith.cmpi sge, %add3A_365, %ge3A_395 : i32
      %convert_element_type3A_397 = arith.extui %ge3A_396 : i1 to i32
      %cond3A_398 = arith.constant 0 : i32
      %cond3A_399 = arith.cmpi ne, %convert_element_type3A_397, %cond3A_398 : i32
      scf.if %cond3A_399 {
        %sub3A_462 = arith.constant 3 : i32
        %sub3A_463 = arith.subi %add3A_365, %sub3A_462 : i32
        %dma_wait3A_464 = arith.constant 0 : i32
        %dma_wait3A_465 = arith.constant 0 : i32
        %dma_wait3A_466 = arith.constant 0 : i32
        %dma_wait3A_467 = arith.constant 0 : i32
        %dma_wait3A_468 = tpu.memref_slice %arg6[%dma_wait3A_465, %dma_wait3A_466, %dma_wait3A_467] : memref<5x512x32xf32, #tpu.memory_space<vmem>> -> memref<1x512x32xf32, #tpu.memory_space<vmem>>
        %dma_wait3A_469 = tpu.memref_squeeze %dma_wait3A_468 : memref<1x512x32xf32, #tpu.memory_space<vmem>> -> memref<512x32xf32, #tpu.memory_space<vmem>>
        %dma_wait3A_470 = arith.constant 0 : i32
        %dma_wait3A_471 = tpu.memref_slice %arg5[%dma_wait3A_464, %dma_wait3A_470] : memref<5x512xi32, #tpu.memory_space<vmem>> -> memref<1x512xi32, #tpu.memory_space<vmem>>
        %dma_wait3A_472 = tpu.memref_squeeze %dma_wait3A_471 : memref<1x512xi32, #tpu.memory_space<vmem>> -> memref<512xi32, #tpu.memory_space<vmem>>
        %dma_wait3A_473 = arith.constant 0 : i32
        %dma_wait3A_474 = arith.constant 0 : i32
        %dma_wait3A_475 = tpu.memref_slice %arg3[%dma_wait3A_473, %dma_wait3A_474] : memref<1000000x32xf32, #tpu.memory_space<hbm>> -> memref<1000000x32xf32, #tpu.memory_space<hbm>>
        tpu.wait_indirect_dma semaphore(%arg12 : memref<!tpu.dma_semaphore, #tpu.memory_space<semaphore_mem>>) src(%dma_wait3A_475 : memref<1000000x32xf32, #tpu.memory_space<hbm>>) dst(%dma_wait3A_469 : memref<512x32xf32, #tpu.memory_space<vmem>>)
        %sub3A_476 = arith.constant 3 : i32
        %sub3A_477 = arith.subi %add3A_365, %sub3A_476 : i32
        %mul3A_478 = arith.constant 512 : i32
        %mul3A_479 = arith.muli %sub3A_477, %mul3A_478 : i32
        %add3A_480 = arith.addi %mul3A_2, %mul3A_479 : i32
        %dma_start3A_481 = arith.constant 0 : i32
        %dma_start3A_482 = arith.constant 0 : i32
        %dma_start3A_483 = arith.constant 0 : i32
        %dma_start3A_484 = tpu.memref_slice %arg6[%dma_start3A_481, %dma_start3A_482, %dma_start3A_483] : memref<5x512x32xf32, #tpu.memory_space<vmem>> -> memref<1x512x32xf32, #tpu.memory_space<vmem>>
        %dma_start3A_485 = tpu.memref_squeeze %dma_start3A_484 : memref<1x512x32xf32, #tpu.memory_space<vmem>> -> memref<512x32xf32, #tpu.memory_space<vmem>>
        %dma_start3A_486 = arith.constant 0 : i32
        %dma_start3A_487 = tpu.memref_slice %arg4[%add3A_480, %dma_start3A_486] : memref<3276800x32xf32, #tpu.memory_space<hbm>> -> memref<512x32xf32, #tpu.memory_space<hbm>>
        %dma_start3A_488 = arith.constant 0 : i32
        %dma_start3A_489 = tpu.memref_slice %arg4[%add3A_480, %dma_start3A_488] : memref<3276800x32xf32, #tpu.memory_space<hbm>> -> memref<512x32xf32, #tpu.memory_space<hbm>>
        %dma_start3A_490 = arith.constant 0 : i32
        %dma_start3A_491 = arith.constant 0 : i32
        %dma_start3A_492 = tpu.memref_slice %arg6[%dma_start3A_481, %dma_start3A_490, %dma_start3A_491] : memref<5x512x32xf32, #tpu.memory_space<vmem>> -> memref<1x512x32xf32, #tpu.memory_space<vmem>>
        %dma_start3A_493 = tpu.memref_squeeze %dma_start3A_492 : memref<1x512x32xf32, #tpu.memory_space<vmem>> -> memref<512x32xf32, #tpu.memory_space<vmem>>
        tpu.enqueue_dma source(%dma_start3A_493 : memref<512x32xf32, #tpu.memory_space<vmem>>) target(%dma_start3A_489 : memref<512x32xf32, #tpu.memory_space<hbm>>) target_semaphore(%arg17 : memref<!tpu.dma_semaphore, #tpu.memory_space<semaphore_mem>>)
      } else {
      }
      %ge3A_400 = arith.constant 3 : i32
      %ge3A_401 = arith.cmpi sge, %add3A_365, %ge3A_400 : i32
      %sub3A_402 = arith.constant 3 : i32
      %sub3A_403 = arith.subi %add3A_365, %sub3A_402 : i32
      %add3A_404 = arith.constant 5 : i32
      %add3A_405 = arith.addi %sub3A_403, %add3A_404 : i32
      %lt3A_406 = arith.constant 200 : i32
      %lt3A_407 = arith.cmpi slt, %add3A_405, %lt3A_406 : i32
      %and3A_408 = arith.andi %ge3A_401, %lt3A_407 : i1
      %convert_element_type3A_409 = arith.extui %and3A_408 : i1 to i32
      %cond3A_410 = arith.constant 0 : i32
      %cond3A_411 = arith.cmpi ne, %convert_element_type3A_409, %cond3A_410 : i32
      scf.if %cond3A_411 {
        %sub3A_462 = arith.constant 3 : i32
        %sub3A_463 = arith.subi %add3A_365, %sub3A_462 : i32
        %add3A_464 = arith.constant 5 : i32
        %add3A_465 = arith.addi %sub3A_463, %add3A_464 : i32
        %mul3A_466 = arith.constant 512 : i32
        %mul3A_467 = arith.muli %add3A_465, %mul3A_466 : i32
        %add3A_468 = arith.addi %mul3A_2, %mul3A_467 : i32
        %dma_start3A_469 = arith.constant 0 : i32
        %dma_start3A_470 = arith.constant 0 : i32
        %dma_start3A_471 = tpu.memref_slice %arg5[%dma_start3A_469, %dma_start3A_470] : memref<5x512xi32, #tpu.memory_space<vmem>> -> memref<1x512xi32, #tpu.memory_space<vmem>>
        %dma_start3A_472 = tpu.memref_squeeze %dma_start3A_471 : memref<1x512xi32, #tpu.memory_space<vmem>> -> memref<512xi32, #tpu.memory_space<vmem>>
        %dma_start3A_473 = tpu.memref_slice %arg2[%add3A_468] : memref<3276800xi32, #tpu.memory_space<hbm>> -> memref<512xi32, #tpu.memory_space<hbm>>
        %dma_start3A_474 = arith.constant 0 : i32
        %dma_start3A_475 = tpu.memref_slice %arg5[%dma_start3A_469, %dma_start3A_474] : memref<5x512xi32, #tpu.memory_space<vmem>> -> memref<1x512xi32, #tpu.memory_space<vmem>>
        %dma_start3A_476 = tpu.memref_squeeze %dma_start3A_475 : memref<1x512xi32, #tpu.memory_space<vmem>> -> memref<512xi32, #tpu.memory_space<vmem>>
        %dma_start3A_477 = tpu.memref_slice %arg2[%add3A_468] : memref<3276800xi32, #tpu.memory_space<hbm>> -> memref<512xi32, #tpu.memory_space<hbm>>
        tpu.enqueue_dma source(%dma_start3A_477 : memref<512xi32, #tpu.memory_space<hbm>>) target(%dma_start3A_476 : memref<512xi32, #tpu.memory_space<vmem>>) target_semaphore(%arg7 : memref<!tpu.dma_semaphore, #tpu.memory_space<semaphore_mem>>)
      } else {
      }
      %mul3A_412 = arith.constant 5 : i32
      %mul3A_413 = arith.muli %scan3A_217, %mul3A_412 : i32
      %add3A_414 = arith.constant 4 : i32
      %add3A_415 = arith.addi %mul3A_413, %add3A_414 : i32
      %mul3A_416 = arith.constant 512 : i32
      %mul3A_417 = arith.muli %add3A_415, %mul3A_416 : i32
      %add3A_418 = arith.addi %mul3A_2, %mul3A_417 : i32
      %dma_wait3A_419 = arith.constant 4 : i32
      %dma_wait3A_420 = arith.constant 0 : i32
      %dma_wait3A_421 = tpu.memref_slice %arg5[%dma_wait3A_419, %dma_wait3A_420] : memref<5x512xi32, #tpu.memory_space<vmem>> -> memref<1x512xi32, #tpu.memory_space<vmem>>
      %dma_wait3A_422 = tpu.memref_squeeze %dma_wait3A_421 : memref<1x512xi32, #tpu.memory_space<vmem>> -> memref<512xi32, #tpu.memory_space<vmem>>
      %dma_wait3A_423 = tpu.memref_slice %arg2[%add3A_418] : memref<3276800xi32, #tpu.memory_space<hbm>> -> memref<512xi32, #tpu.memory_space<hbm>>
      %dma_wait3A_424 = arith.constant 0 : i32
      %dma_wait3A_425 = tpu.memref_slice %arg5[%dma_wait3A_419, %dma_wait3A_424] : memref<5x512xi32, #tpu.memory_space<vmem>> -> memref<1x512xi32, #tpu.memory_space<vmem>>
      %dma_wait3A_426 = tpu.memref_squeeze %dma_wait3A_425 : memref<1x512xi32, #tpu.memory_space<vmem>> -> memref<512xi32, #tpu.memory_space<vmem>>
      %dma_wait3A_427 = tpu.memref_slice %arg2[%add3A_418] : memref<3276800xi32, #tpu.memory_space<hbm>> -> memref<512xi32, #tpu.memory_space<hbm>>
      tpu.wait_dma2 semaphore(%arg11 : memref<!tpu.dma_semaphore, #tpu.memory_space<semaphore_mem>>) src(%dma_wait3A_427 : memref<512xi32, #tpu.memory_space<hbm>>) dst(%dma_wait3A_426 : memref<512xi32, #tpu.memory_space<vmem>>)
      %ge3A_428 = arith.constant 5 : i32
      %ge3A_429 = arith.cmpi sge, %add3A_415, %ge3A_428 : i32
      %convert_element_type3A_430 = arith.extui %ge3A_429 : i1 to i32
      %cond3A_431 = arith.constant 0 : i32
      %cond3A_432 = arith.cmpi ne, %convert_element_type3A_430, %cond3A_431 : i32
      scf.if %cond3A_432 {
        %sub3A_462 = arith.constant 5 : i32
        %sub3A_463 = arith.subi %add3A_415, %sub3A_462 : i32
        %mul3A_464 = arith.constant 512 : i32
        %mul3A_465 = arith.muli %sub3A_463, %mul3A_464 : i32
        %add3A_466 = arith.addi %mul3A_2, %mul3A_465 : i32
        %dma_wait3A_467 = arith.constant 4 : i32
        %dma_wait3A_468 = arith.constant 0 : i32
        %dma_wait3A_469 = arith.constant 0 : i32
        %dma_wait3A_470 = tpu.memref_slice %arg6[%dma_wait3A_467, %dma_wait3A_468, %dma_wait3A_469] : memref<5x512x32xf32, #tpu.memory_space<vmem>> -> memref<1x512x32xf32, #tpu.memory_space<vmem>>
        %dma_wait3A_471 = tpu.memref_squeeze %dma_wait3A_470 : memref<1x512x32xf32, #tpu.memory_space<vmem>> -> memref<512x32xf32, #tpu.memory_space<vmem>>
        %dma_wait3A_472 = arith.constant 0 : i32
        %dma_wait3A_473 = tpu.memref_slice %arg4[%add3A_466, %dma_wait3A_472] : memref<3276800x32xf32, #tpu.memory_space<hbm>> -> memref<512x32xf32, #tpu.memory_space<hbm>>
        %dma_wait3A_474 = arith.constant 0 : i32
        %dma_wait3A_475 = tpu.memref_slice %arg4[%add3A_466, %dma_wait3A_474] : memref<3276800x32xf32, #tpu.memory_space<hbm>> -> memref<512x32xf32, #tpu.memory_space<hbm>>
        %dma_wait3A_476 = arith.constant 0 : i32
        %dma_wait3A_477 = arith.constant 0 : i32
        %dma_wait3A_478 = tpu.memref_slice %arg6[%dma_wait3A_467, %dma_wait3A_476, %dma_wait3A_477] : memref<5x512x32xf32, #tpu.memory_space<vmem>> -> memref<1x512x32xf32, #tpu.memory_space<vmem>>
        %dma_wait3A_479 = tpu.memref_squeeze %dma_wait3A_478 : memref<1x512x32xf32, #tpu.memory_space<vmem>> -> memref<512x32xf32, #tpu.memory_space<vmem>>
        tpu.wait_dma2 semaphore(%arg21 : memref<!tpu.dma_semaphore, #tpu.memory_space<semaphore_mem>>) src(%dma_wait3A_479 : memref<512x32xf32, #tpu.memory_space<vmem>>) dst(%dma_wait3A_475 : memref<512x32xf32, #tpu.memory_space<hbm>>)
      } else {
      }
      %dma_start3A_433 = arith.constant 4 : i32
      %dma_start3A_434 = arith.constant 4 : i32
      %dma_start3A_435 = arith.constant 0 : i32
      %dma_start3A_436 = arith.constant 0 : i32
      %dma_start3A_437 = tpu.memref_slice %arg6[%dma_start3A_434, %dma_start3A_435, %dma_start3A_436] : memref<5x512x32xf32, #tpu.memory_space<vmem>> -> memref<1x512x32xf32, #tpu.memory_space<vmem>>
      %dma_start3A_438 = tpu.memref_squeeze %dma_start3A_437 : memref<1x512x32xf32, #tpu.memory_space<vmem>> -> memref<512x32xf32, #tpu.memory_space<vmem>>
      %dma_start3A_439 = arith.constant 0 : i32
      %dma_start3A_440 = tpu.memref_slice %arg5[%dma_start3A_433, %dma_start3A_439] : memref<5x512xi32, #tpu.memory_space<vmem>> -> memref<1x512xi32, #tpu.memory_space<vmem>>
      %dma_start3A_441 = tpu.memref_squeeze %dma_start3A_440 : memref<1x512xi32, #tpu.memory_space<vmem>> -> memref<512xi32, #tpu.memory_space<vmem>>
      %dma_start3A_442 = arith.constant 0 : i32
      %dma_start3A_443 = arith.constant 0 : i32
      %dma_start3A_444 = tpu.memref_slice %arg3[%dma_start3A_442, %dma_start3A_443] : memref<1000000x32xf32, #tpu.memory_space<hbm>> -> memref<1000000x32xf32, #tpu.memory_space<hbm>>
      tpu.enqueue_indirect_dma source(%dma_start3A_444 : memref<1000000x32xf32, #tpu.memory_space<hbm>>) target(%dma_start3A_438 : memref<512x32xf32, #tpu.memory_space<vmem>>) offsets(%dma_start3A_441 : memref<512xi32, #tpu.memory_space<vmem>>) semaphore(%arg16 : memref<!tpu.dma_semaphore, #tpu.memory_space<semaphore_mem>>)
      %ge3A_445 = arith.constant 3 : i32
      %ge3A_446 = arith.cmpi sge, %add3A_415, %ge3A_445 : i32
      %convert_element_type3A_447 = arith.extui %ge3A_446 : i1 to i32
      %cond3A_448 = arith.constant 0 : i32
      %cond3A_449 = arith.cmpi ne, %convert_element_type3A_447, %cond3A_448 : i32
      scf.if %cond3A_449 {
        %sub3A_462 = arith.constant 3 : i32
        %sub3A_463 = arith.subi %add3A_415, %sub3A_462 : i32
        %dma_wait3A_464 = arith.constant 1 : i32
        %dma_wait3A_465 = arith.constant 1 : i32
        %dma_wait3A_466 = arith.constant 0 : i32
        %dma_wait3A_467 = arith.constant 0 : i32
        %dma_wait3A_468 = tpu.memref_slice %arg6[%dma_wait3A_465, %dma_wait3A_466, %dma_wait3A_467] : memref<5x512x32xf32, #tpu.memory_space<vmem>> -> memref<1x512x32xf32, #tpu.memory_space<vmem>>
        %dma_wait3A_469 = tpu.memref_squeeze %dma_wait3A_468 : memref<1x512x32xf32, #tpu.memory_space<vmem>> -> memref<512x32xf32, #tpu.memory_space<vmem>>
        %dma_wait3A_470 = arith.constant 0 : i32
        %dma_wait3A_471 = tpu.memref_slice %arg5[%dma_wait3A_464, %dma_wait3A_470] : memref<5x512xi32, #tpu.memory_space<vmem>> -> memref<1x512xi32, #tpu.memory_space<vmem>>
        %dma_wait3A_472 = tpu.memref_squeeze %dma_wait3A_471 : memref<1x512xi32, #tpu.memory_space<vmem>> -> memref<512xi32, #tpu.memory_space<vmem>>
        %dma_wait3A_473 = arith.constant 0 : i32
        %dma_wait3A_474 = arith.constant 0 : i32
        %dma_wait3A_475 = tpu.memref_slice %arg3[%dma_wait3A_473, %dma_wait3A_474] : memref<1000000x32xf32, #tpu.memory_space<hbm>> -> memref<1000000x32xf32, #tpu.memory_space<hbm>>
        tpu.wait_indirect_dma semaphore(%arg13 : memref<!tpu.dma_semaphore, #tpu.memory_space<semaphore_mem>>) src(%dma_wait3A_475 : memref<1000000x32xf32, #tpu.memory_space<hbm>>) dst(%dma_wait3A_469 : memref<512x32xf32, #tpu.memory_space<vmem>>)
        %sub3A_476 = arith.constant 3 : i32
        %sub3A_477 = arith.subi %add3A_415, %sub3A_476 : i32
        %mul3A_478 = arith.constant 512 : i32
        %mul3A_479 = arith.muli %sub3A_477, %mul3A_478 : i32
        %add3A_480 = arith.addi %mul3A_2, %mul3A_479 : i32
        %dma_start3A_481 = arith.constant 1 : i32
        %dma_start3A_482 = arith.constant 0 : i32
        %dma_start3A_483 = arith.constant 0 : i32
        %dma_start3A_484 = tpu.memref_slice %arg6[%dma_start3A_481, %dma_start3A_482, %dma_start3A_483] : memref<5x512x32xf32, #tpu.memory_space<vmem>> -> memref<1x512x32xf32, #tpu.memory_space<vmem>>
        %dma_start3A_485 = tpu.memref_squeeze %dma_start3A_484 : memref<1x512x32xf32, #tpu.memory_space<vmem>> -> memref<512x32xf32, #tpu.memory_space<vmem>>
        %dma_start3A_486 = arith.constant 0 : i32
        %dma_start3A_487 = tpu.memref_slice %arg4[%add3A_480, %dma_start3A_486] : memref<3276800x32xf32, #tpu.memory_space<hbm>> -> memref<512x32xf32, #tpu.memory_space<hbm>>
        %dma_start3A_488 = arith.constant 0 : i32
        %dma_start3A_489 = tpu.memref_slice %arg4[%add3A_480, %dma_start3A_488] : memref<3276800x32xf32, #tpu.memory_space<hbm>> -> memref<512x32xf32, #tpu.memory_space<hbm>>
        %dma_start3A_490 = arith.constant 0 : i32
        %dma_start3A_491 = arith.constant 0 : i32
        %dma_start3A_492 = tpu.memref_slice %arg6[%dma_start3A_481, %dma_start3A_490, %dma_start3A_491] : memref<5x512x32xf32, #tpu.memory_space<vmem>> -> memref<1x512x32xf32, #tpu.memory_space<vmem>>
        %dma_start3A_493 = tpu.memref_squeeze %dma_start3A_492 : memref<1x512x32xf32, #tpu.memory_space<vmem>> -> memref<512x32xf32, #tpu.memory_space<vmem>>
        tpu.enqueue_dma source(%dma_start3A_493 : memref<512x32xf32, #tpu.memory_space<vmem>>) target(%dma_start3A_489 : memref<512x32xf32, #tpu.memory_space<hbm>>) target_semaphore(%arg18 : memref<!tpu.dma_semaphore, #tpu.memory_space<semaphore_mem>>)
      } else {
      }
      %ge3A_450 = arith.constant 3 : i32
      %ge3A_451 = arith.cmpi sge, %add3A_415, %ge3A_450 : i32
      %sub3A_452 = arith.constant 3 : i32
      %sub3A_453 = arith.subi %add3A_415, %sub3A_452 : i32
      %add3A_454 = arith.constant 5 : i32
      %add3A_455 = arith.addi %sub3A_453, %add3A_454 : i32
      %lt3A_456 = arith.constant 200 : i32
      %lt3A_457 = arith.cmpi slt, %add3A_455, %lt3A_456 : i32
      %and3A_458 = arith.andi %ge3A_451, %lt3A_457 : i1
      %convert_element_type3A_459 = arith.extui %and3A_458 : i1 to i32
      %cond3A_460 = arith.constant 0 : i32
      %cond3A_461 = arith.cmpi ne, %convert_element_type3A_459, %cond3A_460 : i32
      scf.if %cond3A_461 {
        %sub3A_462 = arith.constant 3 : i32
        %sub3A_463 = arith.subi %add3A_415, %sub3A_462 : i32
        %add3A_464 = arith.constant 5 : i32
        %add3A_465 = arith.addi %sub3A_463, %add3A_464 : i32
        %mul3A_466 = arith.constant 512 : i32
        %mul3A_467 = arith.muli %add3A_465, %mul3A_466 : i32
        %add3A_468 = arith.addi %mul3A_2, %mul3A_467 : i32
        %dma_start3A_469 = arith.constant 1 : i32
        %dma_start3A_470 = arith.constant 0 : i32
        %dma_start3A_471 = tpu.memref_slice %arg5[%dma_start3A_469, %dma_start3A_470] : memref<5x512xi32, #tpu.memory_space<vmem>> -> memref<1x512xi32, #tpu.memory_space<vmem>>
        %dma_start3A_472 = tpu.memref_squeeze %dma_start3A_471 : memref<1x512xi32, #tpu.memory_space<vmem>> -> memref<512xi32, #tpu.memory_space<vmem>>
        %dma_start3A_473 = tpu.memref_slice %arg2[%add3A_468] : memref<3276800xi32, #tpu.memory_space<hbm>> -> memref<512xi32, #tpu.memory_space<hbm>>
        %dma_start3A_474 = arith.constant 0 : i32
        %dma_start3A_475 = tpu.memref_slice %arg5[%dma_start3A_469, %dma_start3A_474] : memref<5x512xi32, #tpu.memory_space<vmem>> -> memref<1x512xi32, #tpu.memory_space<vmem>>
        %dma_start3A_476 = tpu.memref_squeeze %dma_start3A_475 : memref<1x512xi32, #tpu.memory_space<vmem>> -> memref<512xi32, #tpu.memory_space<vmem>>
        %dma_start3A_477 = tpu.memref_slice %arg2[%add3A_468] : memref<3276800xi32, #tpu.memory_space<hbm>> -> memref<512xi32, #tpu.memory_space<hbm>>
        tpu.enqueue_dma source(%dma_start3A_477 : memref<512xi32, #tpu.memory_space<hbm>>) target(%dma_start3A_476 : memref<512xi32, #tpu.memory_space<vmem>>) target_semaphore(%arg8 : memref<!tpu.dma_semaphore, #tpu.memory_space<semaphore_mem>>)
      } else {
      }
    }
    %scan3A_61 = arith.constant 40 : i32
    %dma_wait3A = arith.constant 2 : i32
    %dma_wait3A_62 = arith.constant 2 : i32
    %dma_wait3A_63 = arith.constant 0 : i32
    %dma_wait3A_64 = arith.constant 0 : i32
    %dma_wait3A_65 = tpu.memref_slice %arg6[%dma_wait3A_62, %dma_wait3A_63, %dma_wait3A_64] : memref<5x512x32xf32, #tpu.memory_space<vmem>> -> memref<1x512x32xf32, #tpu.memory_space<vmem>>
    %dma_wait3A_66 = tpu.memref_squeeze %dma_wait3A_65 : memref<1x512x32xf32, #tpu.memory_space<vmem>> -> memref<512x32xf32, #tpu.memory_space<vmem>>
    %dma_wait3A_67 = arith.constant 0 : i32
    %dma_wait3A_68 = tpu.memref_slice %arg5[%dma_wait3A, %dma_wait3A_67] : memref<5x512xi32, #tpu.memory_space<vmem>> -> memref<1x512xi32, #tpu.memory_space<vmem>>
    %dma_wait3A_69 = tpu.memref_squeeze %dma_wait3A_68 : memref<1x512xi32, #tpu.memory_space<vmem>> -> memref<512xi32, #tpu.memory_space<vmem>>
    %dma_wait3A_70 = arith.constant 0 : i32
    %dma_wait3A_71 = arith.constant 0 : i32
    %dma_wait3A_72 = tpu.memref_slice %arg3[%dma_wait3A_70, %dma_wait3A_71] : memref<1000000x32xf32, #tpu.memory_space<hbm>> -> memref<1000000x32xf32, #tpu.memory_space<hbm>>
    tpu.wait_indirect_dma semaphore(%arg14 : memref<!tpu.dma_semaphore, #tpu.memory_space<semaphore_mem>>) src(%dma_wait3A_72 : memref<1000000x32xf32, #tpu.memory_space<hbm>>) dst(%dma_wait3A_66 : memref<512x32xf32, #tpu.memory_space<vmem>>)
    %add3A_73 = arith.constant 100864 : i32
    %add3A_74 = arith.addi %mul3A_2, %add3A_73 : i32
    %dma_start3A_75 = arith.constant 2 : i32
    %dma_start3A_76 = arith.constant 0 : i32
    %dma_start3A_77 = arith.constant 0 : i32
    %dma_start3A_78 = tpu.memref_slice %arg6[%dma_start3A_75, %dma_start3A_76, %dma_start3A_77] : memref<5x512x32xf32, #tpu.memory_space<vmem>> -> memref<1x512x32xf32, #tpu.memory_space<vmem>>
    %dma_start3A_79 = tpu.memref_squeeze %dma_start3A_78 : memref<1x512x32xf32, #tpu.memory_space<vmem>> -> memref<512x32xf32, #tpu.memory_space<vmem>>
    %dma_start3A_80 = arith.constant 0 : i32
    %dma_start3A_81 = tpu.memref_slice %arg4[%add3A_74, %dma_start3A_80] : memref<3276800x32xf32, #tpu.memory_space<hbm>> -> memref<512x32xf32, #tpu.memory_space<hbm>>
    %dma_start3A_82 = arith.constant 0 : i32
    %dma_start3A_83 = tpu.memref_slice %arg4[%add3A_74, %dma_start3A_82] : memref<3276800x32xf32, #tpu.memory_space<hbm>> -> memref<512x32xf32, #tpu.memory_space<hbm>>
    %dma_start3A_84 = arith.constant 0 : i32
    %dma_start3A_85 = arith.constant 0 : i32
    %dma_start3A_86 = tpu.memref_slice %arg6[%dma_start3A_75, %dma_start3A_84, %dma_start3A_85] : memref<5x512x32xf32, #tpu.memory_space<vmem>> -> memref<1x512x32xf32, #tpu.memory_space<vmem>>
    %dma_start3A_87 = tpu.memref_squeeze %dma_start3A_86 : memref<1x512x32xf32, #tpu.memory_space<vmem>> -> memref<512x32xf32, #tpu.memory_space<vmem>>
    tpu.enqueue_dma source(%dma_start3A_87 : memref<512x32xf32, #tpu.memory_space<vmem>>) target(%dma_start3A_83 : memref<512x32xf32, #tpu.memory_space<hbm>>) target_semaphore(%arg19 : memref<!tpu.dma_semaphore, #tpu.memory_space<semaphore_mem>>)
    %dma_wait3A_88 = arith.constant 3 : i32
    %dma_wait3A_89 = arith.constant 3 : i32
    %dma_wait3A_90 = arith.constant 0 : i32
    %dma_wait3A_91 = arith.constant 0 : i32
    %dma_wait3A_92 = tpu.memref_slice %arg6[%dma_wait3A_89, %dma_wait3A_90, %dma_wait3A_91] : memref<5x512x32xf32, #tpu.memory_space<vmem>> -> memref<1x512x32xf32, #tpu.memory_space<vmem>>
    %dma_wait3A_93 = tpu.memref_squeeze %dma_wait3A_92 : memref<1x512x32xf32, #tpu.memory_space<vmem>> -> memref<512x32xf32, #tpu.memory_space<vmem>>
    %dma_wait3A_94 = arith.constant 0 : i32
    %dma_wait3A_95 = tpu.memref_slice %arg5[%dma_wait3A_88, %dma_wait3A_94] : memref<5x512xi32, #tpu.memory_space<vmem>> -> memref<1x512xi32, #tpu.memory_space<vmem>>
    %dma_wait3A_96 = tpu.memref_squeeze %dma_wait3A_95 : memref<1x512xi32, #tpu.memory_space<vmem>> -> memref<512xi32, #tpu.memory_space<vmem>>
    %dma_wait3A_97 = arith.constant 0 : i32
    %dma_wait3A_98 = arith.constant 0 : i32
    %dma_wait3A_99 = tpu.memref_slice %arg3[%dma_wait3A_97, %dma_wait3A_98] : memref<1000000x32xf32, #tpu.memory_space<hbm>> -> memref<1000000x32xf32, #tpu.memory_space<hbm>>
    tpu.wait_indirect_dma semaphore(%arg15 : memref<!tpu.dma_semaphore, #tpu.memory_space<semaphore_mem>>) src(%dma_wait3A_99 : memref<1000000x32xf32, #tpu.memory_space<hbm>>) dst(%dma_wait3A_93 : memref<512x32xf32, #tpu.memory_space<vmem>>)
    %add3A_100 = arith.constant 101376 : i32
    %add3A_101 = arith.addi %mul3A_2, %add3A_100 : i32
    %dma_start3A_102 = arith.constant 3 : i32
    %dma_start3A_103 = arith.constant 0 : i32
    %dma_start3A_104 = arith.constant 0 : i32
    %dma_start3A_105 = tpu.memref_slice %arg6[%dma_start3A_102, %dma_start3A_103, %dma_start3A_104] : memref<5x512x32xf32, #tpu.memory_space<vmem>> -> memref<1x512x32xf32, #tpu.memory_space<vmem>>
    %dma_start3A_106 = tpu.memref_squeeze %dma_start3A_105 : memref<1x512x32xf32, #tpu.memory_space<vmem>> -> memref<512x32xf32, #tpu.memory_space<vmem>>
    %dma_start3A_107 = arith.constant 0 : i32
    %dma_start3A_108 = tpu.memref_slice %arg4[%add3A_101, %dma_start3A_107] : memref<3276800x32xf32, #tpu.memory_space<hbm>> -> memref<512x32xf32, #tpu.memory_space<hbm>>
    %dma_start3A_109 = arith.constant 0 : i32
    %dma_start3A_110 = tpu.memref_slice %arg4[%add3A_101, %dma_start3A_109] : memref<3276800x32xf32, #tpu.memory_space<hbm>> -> memref<512x32xf32, #tpu.memory_space<hbm>>
    %dma_start3A_111 = arith.constant 0 : i32
    %dma_start3A_112 = arith.constant 0 : i32
    %dma_start3A_113 = tpu.memref_slice %arg6[%dma_start3A_102, %dma_start3A_111, %dma_start3A_112] : memref<5x512x32xf32, #tpu.memory_space<vmem>> -> memref<1x512x32xf32, #tpu.memory_space<vmem>>
    %dma_start3A_114 = tpu.memref_squeeze %dma_start3A_113 : memref<1x512x32xf32, #tpu.memory_space<vmem>> -> memref<512x32xf32, #tpu.memory_space<vmem>>
    tpu.enqueue_dma source(%dma_start3A_114 : memref<512x32xf32, #tpu.memory_space<vmem>>) target(%dma_start3A_110 : memref<512x32xf32, #tpu.memory_space<hbm>>) target_semaphore(%arg20 : memref<!tpu.dma_semaphore, #tpu.memory_space<semaphore_mem>>)
    %dma_wait3A_115 = arith.constant 4 : i32
    %dma_wait3A_116 = arith.constant 4 : i32
    %dma_wait3A_117 = arith.constant 0 : i32
    %dma_wait3A_118 = arith.constant 0 : i32
    %dma_wait3A_119 = tpu.memref_slice %arg6[%dma_wait3A_116, %dma_wait3A_117, %dma_wait3A_118] : memref<5x512x32xf32, #tpu.memory_space<vmem>> -> memref<1x512x32xf32, #tpu.memory_space<vmem>>
    %dma_wait3A_120 = tpu.memref_squeeze %dma_wait3A_119 : memref<1x512x32xf32, #tpu.memory_space<vmem>> -> memref<512x32xf32, #tpu.memory_space<vmem>>
    %dma_wait3A_121 = arith.constant 0 : i32
    %dma_wait3A_122 = tpu.memref_slice %arg5[%dma_wait3A_115, %dma_wait3A_121] : memref<5x512xi32, #tpu.memory_space<vmem>> -> memref<1x512xi32, #tpu.memory_space<vmem>>
    %dma_wait3A_123 = tpu.memref_squeeze %dma_wait3A_122 : memref<1x512xi32, #tpu.memory_space<vmem>> -> memref<512xi32, #tpu.memory_space<vmem>>
    %dma_wait3A_124 = arith.constant 0 : i32
    %dma_wait3A_125 = arith.constant 0 : i32
    %dma_wait3A_126 = tpu.memref_slice %arg3[%dma_wait3A_124, %dma_wait3A_125] : memref<1000000x32xf32, #tpu.memory_space<hbm>> -> memref<1000000x32xf32, #tpu.memory_space<hbm>>
    tpu.wait_indirect_dma semaphore(%arg16 : memref<!tpu.dma_semaphore, #tpu.memory_space<semaphore_mem>>) src(%dma_wait3A_126 : memref<1000000x32xf32, #tpu.memory_space<hbm>>) dst(%dma_wait3A_120 : memref<512x32xf32, #tpu.memory_space<vmem>>)
    %add3A_127 = arith.constant 101888 : i32
    %add3A_128 = arith.addi %mul3A_2, %add3A_127 : i32
    %dma_start3A_129 = arith.constant 4 : i32
    %dma_start3A_130 = arith.constant 0 : i32
    %dma_start3A_131 = arith.constant 0 : i32
    %dma_start3A_132 = tpu.memref_slice %arg6[%dma_start3A_129, %dma_start3A_130, %dma_start3A_131] : memref<5x512x32xf32, #tpu.memory_space<vmem>> -> memref<1x512x32xf32, #tpu.memory_space<vmem>>
    %dma_start3A_133 = tpu.memref_squeeze %dma_start3A_132 : memref<1x512x32xf32, #tpu.memory_space<vmem>> -> memref<512x32xf32, #tpu.memory_space<vmem>>
    %dma_start3A_134 = arith.constant 0 : i32
    %dma_start3A_135 = tpu.memref_slice %arg4[%add3A_128, %dma_start3A_134] : memref<3276800x32xf32, #tpu.memory_space<hbm>> -> memref<512x32xf32, #tpu.memory_space<hbm>>
    %dma_start3A_136 = arith.constant 0 : i32
    %dma_start3A_137 = tpu.memref_slice %arg4[%add3A_128, %dma_start3A_136] : memref<3276800x32xf32, #tpu.memory_space<hbm>> -> memref<512x32xf32, #tpu.memory_space<hbm>>
    %dma_start3A_138 = arith.constant 0 : i32
    %dma_start3A_139 = arith.constant 0 : i32
    %dma_start3A_140 = tpu.memref_slice %arg6[%dma_start3A_129, %dma_start3A_138, %dma_start3A_139] : memref<5x512x32xf32, #tpu.memory_space<vmem>> -> memref<1x512x32xf32, #tpu.memory_space<vmem>>
    %dma_start3A_141 = tpu.memref_squeeze %dma_start3A_140 : memref<1x512x32xf32, #tpu.memory_space<vmem>> -> memref<512x32xf32, #tpu.memory_space<vmem>>
    tpu.enqueue_dma source(%dma_start3A_141 : memref<512x32xf32, #tpu.memory_space<vmem>>) target(%dma_start3A_137 : memref<512x32xf32, #tpu.memory_space<hbm>>) target_semaphore(%arg21 : memref<!tpu.dma_semaphore, #tpu.memory_space<semaphore_mem>>)
    %add3A_142 = arith.constant 99840 : i32
    %add3A_143 = arith.addi %mul3A_2, %add3A_142 : i32
    %dma_wait3A_144 = arith.constant 0 : i32
    %dma_wait3A_145 = arith.constant 0 : i32
    %dma_wait3A_146 = arith.constant 0 : i32
    %dma_wait3A_147 = tpu.memref_slice %arg6[%dma_wait3A_144, %dma_wait3A_145, %dma_wait3A_146] : memref<5x512x32xf32, #tpu.memory_space<vmem>> -> memref<1x512x32xf32, #tpu.memory_space<vmem>>
    %dma_wait3A_148 = tpu.memref_squeeze %dma_wait3A_147 : memref<1x512x32xf32, #tpu.memory_space<vmem>> -> memref<512x32xf32, #tpu.memory_space<vmem>>
    %dma_wait3A_149 = arith.constant 0 : i32
    %dma_wait3A_150 = tpu.memref_slice %arg4[%add3A_143, %dma_wait3A_149] : memref<3276800x32xf32, #tpu.memory_space<hbm>> -> memref<512x32xf32, #tpu.memory_space<hbm>>
    %dma_wait3A_151 = arith.constant 0 : i32
    %dma_wait3A_152 = tpu.memref_slice %arg4[%add3A_143, %dma_wait3A_151] : memref<3276800x32xf32, #tpu.memory_space<hbm>> -> memref<512x32xf32, #tpu.memory_space<hbm>>
    %dma_wait3A_153 = arith.constant 0 : i32
    %dma_wait3A_154 = arith.constant 0 : i32
    %dma_wait3A_155 = tpu.memref_slice %arg6[%dma_wait3A_144, %dma_wait3A_153, %dma_wait3A_154] : memref<5x512x32xf32, #tpu.memory_space<vmem>> -> memref<1x512x32xf32, #tpu.memory_space<vmem>>
    %dma_wait3A_156 = tpu.memref_squeeze %dma_wait3A_155 : memref<1x512x32xf32, #tpu.memory_space<vmem>> -> memref<512x32xf32, #tpu.memory_space<vmem>>
    tpu.wait_dma2 semaphore(%arg17 : memref<!tpu.dma_semaphore, #tpu.memory_space<semaphore_mem>>) src(%dma_wait3A_156 : memref<512x32xf32, #tpu.memory_space<vmem>>) dst(%dma_wait3A_152 : memref<512x32xf32, #tpu.memory_space<hbm>>)
    %add3A_157 = arith.constant 100352 : i32
    %add3A_158 = arith.addi %mul3A_2, %add3A_157 : i32
    %dma_wait3A_159 = arith.constant 1 : i32
    %dma_wait3A_160 = arith.constant 0 : i32
    %dma_wait3A_161 = arith.constant 0 : i32
    %dma_wait3A_162 = tpu.memref_slice %arg6[%dma_wait3A_159, %dma_wait3A_160, %dma_wait3A_161] : memref<5x512x32xf32, #tpu.memory_space<vmem>> -> memref<1x512x32xf32, #tpu.memory_space<vmem>>
    %dma_wait3A_163 = tpu.memref_squeeze %dma_wait3A_162 : memref<1x512x32xf32, #tpu.memory_space<vmem>> -> memref<512x32xf32, #tpu.memory_space<vmem>>
    %dma_wait3A_164 = arith.constant 0 : i32
    %dma_wait3A_165 = tpu.memref_slice %arg4[%add3A_158, %dma_wait3A_164] : memref<3276800x32xf32, #tpu.memory_space<hbm>> -> memref<512x32xf32, #tpu.memory_space<hbm>>
    %dma_wait3A_166 = arith.constant 0 : i32
    %dma_wait3A_167 = tpu.memref_slice %arg4[%add3A_158, %dma_wait3A_166] : memref<3276800x32xf32, #tpu.memory_space<hbm>> -> memref<512x32xf32, #tpu.memory_space<hbm>>
    %dma_wait3A_168 = arith.constant 0 : i32
    %dma_wait3A_169 = arith.constant 0 : i32
    %dma_wait3A_170 = tpu.memref_slice %arg6[%dma_wait3A_159, %dma_wait3A_168, %dma_wait3A_169] : memref<5x512x32xf32, #tpu.memory_space<vmem>> -> memref<1x512x32xf32, #tpu.memory_space<vmem>>
    %dma_wait3A_171 = tpu.memref_squeeze %dma_wait3A_170 : memref<1x512x32xf32, #tpu.memory_space<vmem>> -> memref<512x32xf32, #tpu.memory_space<vmem>>
    tpu.wait_dma2 semaphore(%arg18 : memref<!tpu.dma_semaphore, #tpu.memory_space<semaphore_mem>>) src(%dma_wait3A_171 : memref<512x32xf32, #tpu.memory_space<vmem>>) dst(%dma_wait3A_167 : memref<512x32xf32, #tpu.memory_space<hbm>>)
    %add3A_172 = arith.constant 100864 : i32
    %add3A_173 = arith.addi %mul3A_2, %add3A_172 : i32
    %dma_wait3A_174 = arith.constant 2 : i32
    %dma_wait3A_175 = arith.constant 0 : i32
    %dma_wait3A_176 = arith.constant 0 : i32
    %dma_wait3A_177 = tpu.memref_slice %arg6[%dma_wait3A_174, %dma_wait3A_175, %dma_wait3A_176] : memref<5x512x32xf32, #tpu.memory_space<vmem>> -> memref<1x512x32xf32, #tpu.memory_space<vmem>>
    %dma_wait3A_178 = tpu.memref_squeeze %dma_wait3A_177 : memref<1x512x32xf32, #tpu.memory_space<vmem>> -> memref<512x32xf32, #tpu.memory_space<vmem>>
    %dma_wait3A_179 = arith.constant 0 : i32
    %dma_wait3A_180 = tpu.memref_slice %arg4[%add3A_173, %dma_wait3A_179] : memref<3276800x32xf32, #tpu.memory_space<hbm>> -> memref<512x32xf32, #tpu.memory_space<hbm>>
    %dma_wait3A_181 = arith.constant 0 : i32
    %dma_wait3A_182 = tpu.memref_slice %arg4[%add3A_173, %dma_wait3A_181] : memref<3276800x32xf32, #tpu.memory_space<hbm>> -> memref<512x32xf32, #tpu.memory_space<hbm>>
    %dma_wait3A_183 = arith.constant 0 : i32
    %dma_wait3A_184 = arith.constant 0 : i32
    %dma_wait3A_185 = tpu.memref_slice %arg6[%dma_wait3A_174, %dma_wait3A_183, %dma_wait3A_184] : memref<5x512x32xf32, #tpu.memory_space<vmem>> -> memref<1x512x32xf32, #tpu.memory_space<vmem>>
    %dma_wait3A_186 = tpu.memref_squeeze %dma_wait3A_185 : memref<1x512x32xf32, #tpu.memory_space<vmem>> -> memref<512x32xf32, #tpu.memory_space<vmem>>
    tpu.wait_dma2 semaphore(%arg19 : memref<!tpu.dma_semaphore, #tpu.memory_space<semaphore_mem>>) src(%dma_wait3A_186 : memref<512x32xf32, #tpu.memory_space<vmem>>) dst(%dma_wait3A_182 : memref<512x32xf32, #tpu.memory_space<hbm>>)
    %add3A_187 = arith.constant 101376 : i32
    %add3A_188 = arith.addi %mul3A_2, %add3A_187 : i32
    %dma_wait3A_189 = arith.constant 3 : i32
    %dma_wait3A_190 = arith.constant 0 : i32
    %dma_wait3A_191 = arith.constant 0 : i32
    %dma_wait3A_192 = tpu.memref_slice %arg6[%dma_wait3A_189, %dma_wait3A_190, %dma_wait3A_191] : memref<5x512x32xf32, #tpu.memory_space<vmem>> -> memref<1x512x32xf32, #tpu.memory_space<vmem>>
    %dma_wait3A_193 = tpu.memref_squeeze %dma_wait3A_192 : memref<1x512x32xf32, #tpu.memory_space<vmem>> -> memref<512x32xf32, #tpu.memory_space<vmem>>
    %dma_wait3A_194 = arith.constant 0 : i32
    %dma_wait3A_195 = tpu.memref_slice %arg4[%add3A_188, %dma_wait3A_194] : memref<3276800x32xf32, #tpu.memory_space<hbm>> -> memref<512x32xf32, #tpu.memory_space<hbm>>
    %dma_wait3A_196 = arith.constant 0 : i32
    %dma_wait3A_197 = tpu.memref_slice %arg4[%add3A_188, %dma_wait3A_196] : memref<3276800x32xf32, #tpu.memory_space<hbm>> -> memref<512x32xf32, #tpu.memory_space<hbm>>
    %dma_wait3A_198 = arith.constant 0 : i32
    %dma_wait3A_199 = arith.constant 0 : i32
    %dma_wait3A_200 = tpu.memref_slice %arg6[%dma_wait3A_189, %dma_wait3A_198, %dma_wait3A_199] : memref<5x512x32xf32, #tpu.memory_space<vmem>> -> memref<1x512x32xf32, #tpu.memory_space<vmem>>
    %dma_wait3A_201 = tpu.memref_squeeze %dma_wait3A_200 : memref<1x512x32xf32, #tpu.memory_space<vmem>> -> memref<512x32xf32, #tpu.memory_space<vmem>>
    tpu.wait_dma2 semaphore(%arg20 : memref<!tpu.dma_semaphore, #tpu.memory_space<semaphore_mem>>) src(%dma_wait3A_201 : memref<512x32xf32, #tpu.memory_space<vmem>>) dst(%dma_wait3A_197 : memref<512x32xf32, #tpu.memory_space<hbm>>)
    %add3A_202 = arith.constant 101888 : i32
    %add3A_203 = arith.addi %mul3A_2, %add3A_202 : i32
    %dma_wait3A_204 = arith.constant 4 : i32
    %dma_wait3A_205 = arith.constant 0 : i32
    %dma_wait3A_206 = arith.constant 0 : i32
    %dma_wait3A_207 = tpu.memref_slice %arg6[%dma_wait3A_204, %dma_wait3A_205, %dma_wait3A_206] : memref<5x512x32xf32, #tpu.memory_space<vmem>> -> memref<1x512x32xf32, #tpu.memory_space<vmem>>
    %dma_wait3A_208 = tpu.memref_squeeze %dma_wait3A_207 : memref<1x512x32xf32, #tpu.memory_space<vmem>> -> memref<512x32xf32, #tpu.memory_space<vmem>>
    %dma_wait3A_209 = arith.constant 0 : i32
    %dma_wait3A_210 = tpu.memref_slice %arg4[%add3A_203, %dma_wait3A_209] : memref<3276800x32xf32, #tpu.memory_space<hbm>> -> memref<512x32xf32, #tpu.memory_space<hbm>>
    %dma_wait3A_211 = arith.constant 0 : i32
    %dma_wait3A_212 = tpu.memref_slice %arg4[%add3A_203, %dma_wait3A_211] : memref<3276800x32xf32, #tpu.memory_space<hbm>> -> memref<512x32xf32, #tpu.memory_space<hbm>>
    %dma_wait3A_213 = arith.constant 0 : i32
    %dma_wait3A_214 = arith.constant 0 : i32
    %dma_wait3A_215 = tpu.memref_slice %arg6[%dma_wait3A_204, %dma_wait3A_213, %dma_wait3A_214] : memref<5x512x32xf32, #tpu.memory_space<vmem>> -> memref<1x512x32xf32, #tpu.memory_space<vmem>>
    %dma_wait3A_216 = tpu.memref_squeeze %dma_wait3A_215 : memref<1x512x32xf32, #tpu.memory_space<vmem>> -> memref<512x32xf32, #tpu.memory_space<vmem>>
    tpu.wait_dma2 semaphore(%arg21 : memref<!tpu.dma_semaphore, #tpu.memory_space<semaphore_mem>>) src(%dma_wait3A_216 : memref<512x32xf32, #tpu.memory_space<vmem>>) dst(%dma_wait3A_212 : memref<512x32xf32, #tpu.memory_space<hbm>>)
    return
  }
}

</mosaic_0001>

<sc_bundles>
// kernel: kernel.3.cloned.1.call-start
scs
__scs_entry_jumppad:
0x0: {  	(pc) =	sbr.rel $0x88, $3  }
0x1: {  	(tag) =	ssettag $0x0;
	lr =	simm.s32 $0x1  }
0x2: {  	[smem:$0x3F9F] =	sst lr;
	_ =	strace $0xD0000000  }
0x3: {  	_ = 	snop  }
0x4: {  	_ = 	snop  }
0x5: {  	_ = 	snop  }
0x6: {  	_ = 	snop  }
0x7: {  	_ = 	snop  }
__scs_overlays_trampoline_lowered:
0x8: {  	[smem:$0x3FAE] =	sst s0  }
0x9: {  	[smem:$0x3FAF] =	sst s1  }
0xa: {  	[smem:$0x3FB0] =	sst s2  }
0xb: {  	[smem:$0x3FB1] =	sst s3  }
0xc: {  	[smem:$0x3FB2] =	sst s4  }
0xd: {  	[smem:$0x3FB3] =	sst s5  }
0xe: {  	[smem:$0x3FB4] =	sst s6  }
0xf: {  	[smem:$0x3FB5] =	sst s7  }
0x10: {  	[smem:$0x3FB6] =	sst s8  }
0x11: {  	[smem:$0x3FB7] =	sst s9;
	s0 =	simm.s32 @!p0 $0x0  }
0x12: {  	s1 =	sld [smem:$0x3F9D];
	s0 =	simm.s32 @p0 $0x1  }
0x13: {  	[smem:$0x3FB8] =	sst s0;
	s0 =	simm.s32 @!p1 $0x0  }
0x14: {  	s2 =	sld [smem:$0x3F9C];
	s0 =	simm.s32 @p1 $0x1  }
0x15: {  	[smem:$0x3FB9] =	sst s0;
	s0 =	simm.s32 @!p2 $0x0  }
0x16: {  	s3 =	sld [smem:$0x3FDB];
	s0 =	simm.s32 @p2 $0x1  }
0x17: {  	s4 =	simm.s32 $0x1BF5;
	[smem:$0x3FBB] =	sst s0  }
0x18: {  	s0 =	sld [smem:$0x3F9E];
	_ =	swait.ge [sflag:s4], $0x0  }
0x19: {  	s7 =	sld [smem:$0x3F9F]  }
0x1a: {  	s8 =	sadd.s32 $0xFFFFE003, lr  }
0x1b: {  	s9 =	sadd.s32 $0xFFFFFEF7, lr;
	s5 =	simm.s32 $0xFFFFFFFF;
	p2 =	slt.u32 s8, $0xFFFFF086  }
0x1c: {  	p1 =	slt.u32 s9, $0xF7A;
	s5 =	simm.s32 @!p2 $0x0  }
0x1d: {  	s5 =	simm.s32 @p1 $0x1;
	p0 =	seq.s32 s7, s2  }
0x1e: {  	s7 =	smul.u32 @!p0 $0xF7A, s2;
	p2 =	seq.s32 @!p0 s5, $0x0  }
0x1f: {  	s9 =	smul.u32 $0xF7A, s1;
	s8 =	simm.s32 @!p0 $0x1BF5;
	p2 =	por !p2, p0  }
0x20: {  	[sflag:s8] =	ssyncset.s32 @!p0 $0xFFFFF086;
	s6 =	sadd.s32 @!p0 s3, s7;
	s7 =	simm.s32 @!p0 $0x108  }
0x21: {  	s3 =	sadd.s32 s3, s9;
	s6 =	sadd.s32 @!p0 $0x88, s6;
	s7 =	simm.s32 @p2 $0x1082  }
0x22: {  	[simem:s7], [sflag:s8] =	dma.local @!p0 [hbm:s6], $0xF7A  }
0x23: {  	s9 =	sor.u32 $0xD0000000, s2;
	s6 =	simm.s32 $0x108;
	_ =	swait.ge @!p0 [sflag:s8], $0x0  }
0x24: {  	s3 =	sadd.s32 $0x88, s3;
	s6 =	simm.s32 @!p1 $0x1082;
	[sflag:s4] =	ssyncset.s32 $0xFFFFF086  }
0x25: {  	[simem:s6], [sflag:s4] =	dma.local [hbm:s3], $0xF7A  }
0x26: {  	[smem:$0x3F9F] =	sst s1;
	(tag) =	ssettag s2;
	_ =	strace s9  }
0x27: {  	s1 =	sld [smem:$0x3FAF]  }
0x28: {  	s2 =	sld [smem:$0x3FB0]  }
0x29: {  	s4 =	sld [smem:$0x3FB2]  }
0x2a: {  	p0 =	seq.s32 s5, $0x0;
	s5 =	sld [smem:$0x3FB3]  }
0x2b: {  	s6 =	sld [smem:$0x3FB4]  }
0x2c: {  	s7 =	sld [smem:$0x3FB5]  }
0x2d: {  	s3 =	simm.s32 $0x108;
	s8 =	sld [smem:$0x3FB6]  }
0x2e: {  	s3 =	simm.s32 @!p0 $0x1082;
	s9 =	sld [smem:$0x3FB7]  }
0x2f: {  	lr =	sadd.s32 s0, s3;
	s0 =	sld [smem:$0x3FAE]  }
0x30: {  	s3 =	sld [smem:$0x3FB1]  }
0x31: {  	[smem:$0x3FBA] =	sst s10  }
0x32: {  	s10 =	sld [smem:$0x3FB8];
	_ =	sdelay $0x3  }
0x33: {  	p0 =	seq.s32 s10, $0x1;
	s10 =	sld [smem:$0x3FBA];
	_ =	sdelay $0x3  }
0x34: {  	[smem:$0x3FBA] =	sst s10  }
0x35: {  	s10 =	sld [smem:$0x3FB9];
	_ =	sdelay $0x3  }
0x36: {  	p1 =	seq.s32 s10, $0x1;
	s10 =	sld [smem:$0x3FBA];
	_ =	sdelay $0x3  }
0x37: {  	[smem:$0x3FBA] =	sst s10  }
0x38: {  	s10 =	sld [smem:$0x3FBB]  }
0x39: {  	_ = 	snop;
	(pc) =	sbr.ind lr, $3  }
0x3a: {  	_ = 	snop  }
0x3b: {  	_ = 	snop  }
0x3c: {  	p2 =	seq.s32 s10, $0x1;
	s10 =	sld [smem:$0x3FBA]  }
0x3d: {  	_ =	shalt  }
0x3e: {  	_ =	shalt  }
0x3f: {  	_ =	shalt  }
0x40: {  	_ =	shalt  }
0x41: {  	_ =	shalt  }
0x42: {  	_ =	shalt  }
0x43: {  	_ =	shalt  }
0x44: {  	_ =	shalt  }
0x45: {  	_ =	shalt  }
0x46: {  	_ =	shalt  }
0x47: {  	_ =	shalt  }
0x48: {  	_ =	shalt  }
0x49: {  	_ =	shalt  }
0x4a: {  	_ =	shalt  }
0x4b: {  	_ =	shalt  }
0x4c: {  	_ =	shalt  }
0x4d: {  	_ =	shalt  }
0x4e: {  	_ =	shalt  }
0x4f: {  	_ =	shalt  }
0x50: {  	_ =	shalt  }
0x51: {  	_ =	shalt  }
0x52: {  	_ =	shalt  }
0x53: {  	_ =	shalt  }
0x54: {  	_ =	shalt  }
0x55: {  	_ =	shalt  }
0x56: {  	_ =	shalt  }
0x57: {  	_ =	shalt  }
0x58: {  	_ =	shalt  }
0x59: {  	_ =	shalt  }
0x5a: {  	_ =	shalt  }
0x5b: {  	_ =	shalt  }
0x5c: {  	_ =	shalt  }
0x5d: {  	_ =	shalt  }
0x5e: {  	_ =	shalt  }
0x5f: {  	_ =	shalt  }
0x60: {  	_ =	shalt  }
0x61: {  	_ =	shalt  }
0x62: {  	_ =	shalt  }
0x63: {  	_ =	shalt  }
0x64: {  	_ =	shalt  }
0x65: {  	_ =	shalt  }
0x66: {  	_ =	shalt  }
0x67: {  	_ =	shalt  }
0x68: {  	_ =	shalt  }
0x69: {  	_ =	shalt  }
0x6a: {  	_ =	shalt  }
0x6b: {  	_ =	shalt  }
0x6c: {  	_ =	shalt  }
0x6d: {  	_ =	shalt  }
0x6e: {  	_ =	shalt  }
0x6f: {  	_ =	shalt  }
0x70: {  	_ =	shalt  }
0x71: {  	_ =	shalt  }
0x72: {  	_ =	shalt  }
0x73: {  	_ =	shalt  }
0x74: {  	_ =	shalt  }
0x75: {  	_ =	shalt  }
0x76: {  	_ =	shalt  }
0x77: {  	_ =	shalt  }
0x78: {  	_ =	shalt  }
0x79: {  	_ =	shalt  }
0x7a: {  	_ =	shalt  }
0x7b: {  	_ =	shalt  }
0x7c: {  	_ =	shalt  }
0x7d: {  	_ =	shalt  }
0x7e: {  	_ =	shalt  }
0x7f: {  	_ =	shalt  }
0x80: {  	_ =	shalt  }
0x81: {  	_ =	shalt  }
0x82: {  	_ =	shalt  }
0x83: {  	_ =	shalt  }
0x84: {  	_ =	shalt  }
0x85: {  	_ =	shalt  }
0x86: {  	_ =	shalt  }
0x87: {  	_ =	shalt  }
.Lfunc_end0:
.L_simem_size_0:
called_computation.1_lowered:
.L_overlay_start_0:
0x88: {  	s2 =	sld [smem:$0x3FD9]  }
0x89: {  	s3 =	sld [smem:$0x3FFE];
	_ =	sdelay $0x1  }
0x8a: {  	s1 =	srdreg.scid  }
0x8b: {  	s0 =	sand.u32 $0x1, s1  }
0x8c: {  	s17 =	sshll.u32 s0, $0xA;
	s2 =	sadd.s32 s3, s2  }
0x8d: {  	s2 =	sadd.s32 s2, s17  }
0x8e: {  	[smem:$0x3FC6] =	sst s2  }
0x8f: {  	_ = 	snop  }
0x90: {  	s2 =	sld [smem:$0x3FD0];
	(tm) =	ssettm $0x1  }
0x91: {  	s18 =	sld [smem:$0x3FFB];
	_ =	sdelay $0x3  }
0x92: {  	_ =	strace s18  }
0x93: {  	s3 =	sld [smem:$0x3FFC];
	_ =	sdelay $0x3  }
0x94: {  	_ =	strace s3  }
0x95: {  	s3 =	sld [smem:$0x3FFD];
	_ =	sdelay $0x3  }
0x96: {  	_ =	strace s3  }
0x97: {  	_ =	strace $0x8FFFFFFF  }
0x98: {  	s19 =	sld [smem:$0x3FDB];
	_ =	sdelay $0x1  }
0x99: {  	s4 =	simm.s32 $_scs_section_size  }
0x9a: {  	s5 =	simm.s32 $_size__tile_overlayer_lowered;
	s6 =	simm.s32 $_tile_overlayer_lowered  }
0x9b: {  	s22 =	simm.s32 $0x1BFF;
	s21 =	sshll.u32 s6, $0x1;
	s3 =	sadd.s32 s4, s19  }
0x9c: {  	s7 =	simm.s32 $0x0;
	s20 =	sshll.u32 s5, $0x1;
	s5 =	sadd.s32 s21, s3  }
0x9d: {  	[timem:s7], [sflag:s22] =	dma.local [hbm:s5], s20  }
0x9e: {  	_ =	swait.ge [sflag:s22], s20  }
0x9f: {  	s4 =	ssub.s32 $0x0, s20;
	[sflag:s22] =	ssyncset.done $0x0  }
0xa0: {  	[sflag:s22] =	ssyncadd.s32 s4;
	_ =	sdelay $0x1  }
0xa1: {  	s23 =	simm.s32 $0x1B8B  }
0xa2: {  	_ =	swait.ge [sflag:s23], $0x1  }
0xa3: {  	[sflag:s23] =	ssyncset.done $0x0  }
0xa4: {  	s25 =	simm.s32 $0x1B8E;
	s24 =	sld [smem:$0x3FFE];
	[sflag:s23] =	ssyncadd.s32 $0xFFFFFFFF  }
0xa5: {  	s26 =	simm.s32 $execute0_lowered;
	[smem:$0x3FD2] =	sst s25  }
0xa6: {  	s5 =	sshll.u32 s26, $0x1;
	_ =	strace $0x80000046;
	[dreg:$0x1] =	wrdreg $0xFFFFFFFF  }
0xa7: {  	s28 =	simm.s32 $_size_execute0_lowered;
	s3 =	sadd.s32 s3, s5;
	[dreg:$0x0] =	wrdreg $0x0  }
0xa8: {  	s5 =	sshll.u32 s28, $0x1;
	[dreg:$0x2] =	wrdreg s3  }
0xa9: {  	[dreg:$0x3] =	wrdreg s5  }
0xaa: {  	[dreg:$0x4] =	wrdreg $0xC0  }
0xab: {  	_ =	task [dreg:s7], $0x5FFFF  }
0xac: {  	[dreg:$0x1] =	wrdreg $0xFFFFFFFF  }
0xad: {  	[dreg:$0x0] =	wrdreg $0x60  }
0xae: {  	[dreg:$0x2] =	wrdreg s24  }
0xaf: {  	[dreg:$0x3] =	wrdreg s2  }
0xb0: {  	[dreg:$0x4] =	wrdreg $0x9  }
0xb1: {  	_ =	task.clear_ibuf [dreg:s7], $0x5FFFF;
	_ =	strace $0x90000046  }
0xb2: {  	s29 =	simm.s32 $0x9;
	_ =	strace $0x80000048  }
0xb3: {  	_ =	swait.ge [sflag:s29], $0x1  }
0xb4: {  	[sflag:s29] =	ssyncadd.s32 $0xFFFFFFFF  }
0xb5: {  	_ =	strace $0x90000048  }
0xb6: {  	_ =	sfence  }
0xb7: {  	s30 =	sld [smem:$0x0];
	_ =	sdelay $0x2  }
0xb8: {  	s31 =	sshll.u32 s1, $0xD;
	s1 =	sshrl.u32 s1, $0x2  }
0xb9: {  	s3 =	sand.u32 $0x4000, s31;
	s1 =	sadd.s32 s1, s30  }
0xba: {  	s0 =	sor.u32 s3, s0;
	s1 =	sshll.u32 s1, $0x11  }
0xbb: {  	s0 =	sor.u32 s1, s0  }
0xbc: {  	s0 =	sadd.s32 $0x8F2B, s0  }
0xbd: {  	[sflag:s0] =	ssyncadd.remote.s32 $0x1  }
0xbe: {  	_ =	sfence.sel $0xFFFF  }
0xbf: {  	[dreg:$0x0] =	wrdreg $0xFFFFFFFF;
	(pc) =	sbr.abs _section_cstart, $3  }
0xc0: {  	[dreg:$0x1] =	wrdreg $0xFFFFFFFF  }
0xc1: {  	_ =	task.clear_ibuf [dreg:s7], $0x2FFFF;
	_ =	strace $0x9FFFFFFF  }
0xc2: {  	(tm) =	ssettm $0x7FFFFFFF  }
0xc3: {  	_ =	shalt  }
tec
execute0_lowered:
.L_overlay_start_1:
0x0: {  	(tag) =	ssettag $0x1  }
0x1: {  	s0 =	rddreg [dreg:$0x0]  }
0x2: {  	s10 =	rddreg [dreg:$0x1]  }
0x3: {  	s1 =	srdreg.scid;
	s9 =	stileid.u32  }
0x4: {  	s3 =	simm.s32 $0x0;
	s28 =	simm.s32 $0xA00;
	s24 =	smul.u32 $0x32000, s9  }
0x5: {  	s29 =	simm.s32 $0x2;
	s30 =	simm.s32 $0x4A00;
	s17 =	smul.u32 $0xC8000, s9  }
0x6: {  	s1 =	sand.u32 $0x1, s1;
	s2 =	sshll.u32 s9, $0x1;
	s9 =	smul.u32 $0x640000, s9  }
0x7: {  	s31 =	simm.s32 $0x3;
	[smem:$0x7FF] =	sst s3;
	s26 =	smul.u32 $0x19000, s1  }
0x8: {  	s6 =	sadd.s32 $0x800, s0;
	s4 =	sadd.s32 $0xFA6C00, s0;
	s19 =	smul.u32 $0x64000, s1  }
0x9: {  	s2 =	sor.u32 s1, s2;
	s23 =	ssub.s32 $0x2, s1;
	s1 =	smul.u32 $0x320000, s1  }
0xa: {  	_ =	strace $0x80000047;
	s5 =	smul.u32 $0x19000, s2;
	s7 =	sshrl.u32 s23, $0x1  }
0xb: {  	s2 =	smul.u32 $0x320000, s2;
	s0 =	ssub.s32 s23, s7;
	s7 =	sadd.s32 s19, s17  }
0xc: {  	s1 =	sadd.s32 s1, s9;
	s9 =	simm.s32 $0xF;
	s17 =	simm.s32 $0xD  }
0xd: {  	s5 =	sshrl.u32 s5, $0x3;
	s2 =	sshrl.u32 s2, $0x3;
	s0 =	smax.u32 s0, $0x1  }
0xe: {  	s1 =	sor.u32 $0x4000, s1;
	[dreg:$0xe] =	wrdreg s7;
	s8 =	sadd.s32 s6, s5  }
0xf: {  	s2 =	sadd.s32 s10, s2;
	s5 =	sadd.s32 s26, s24;
	[dreg:$0xb] =	wrdreg s0  }
0x10: {  	s26 =	sshrl.u32 s1, $0x3;
	s25 =	sadd.s32 $0x40, s8;
	[dreg:$0x3] =	wrdreg s8  }
0x11: {  	s1 =	simm.s32 $0x4;
	s11 =	sadd.s32 $0x80, s8;
	[dreg:$0x4] =	wrdreg s25  }
0x12: {  	s12 =	sadd.s32 $0xC0, s8;
	s8 =	sadd.s32 $0x100, s8;
	[dreg:$0x5] =	wrdreg s11  }
0x13: {  	s13 =	sadd.s32 $0x62800, s2;
	s14 =	sadd.s32 $0x63000, s2;
	[dreg:$0x6] =	wrdreg s12  }
0x14: {  	s15 =	sor.u32 $0xC00, s5;
	s2 =	sadd.s32 $0x63800, s2;
	[dreg:$0x7] =	wrdreg s8  }
0x15: {  	s20 =	sor.u32 $0xA00, s5;
	s21 =	sor.u32 $0x800, s5;
	[dreg:$0x8] =	wrdreg s13  }
0x16: {  	s23 =	sor.u32 $0x600, s5;
	s24 =	sor.u32 $0x400, s5;
	[dreg:$0x9] =	wrdreg s14  }
0x17: {  	s5 =	simm.s32 $0xA;
	[dreg:$0xa] =	wrdreg s2;
	s16 =	sshrl.u32 s15, $0x3  }
0x18: {  	s2 =	sshrl.u32 s20, $0x3;
	s8 =	sshrl.u32 s21, $0x3;
	s0 =	sshrl.u32 s23, $0x3  }
0x19: {  	s20 =	sadd.s32 s10, s7;
	s21 =	sadd.s32 s26, s10;
	s26 =	simm.s32 $0x1  }
0x1a: {  	s14 =	simm.s32 $0x8A00;
	s7 =	simm.s32 $0x6;
	s11 =	simm.s32 $0x7  }
0x1b: {  	s12 =	simm.s32 $0x8;
	s13 =	simm.s32 $0x9;
	s15 =	simm.s32 $0xB  }
0x1c: {  	s10 =	simm.s32 $0x0;
	s18 =	sadd.s32 s16, s6;
	s2 =	sadd.s32 s2, s6  }
0x1d: {  	s22 =	sadd.s32 s8, s6;
	s0 =	sadd.s32 s0, s6;
	[dreg:$0x11] =	wrdreg s18  }
.Ltmp0:
0x1e: {  	s8 =	simm.s32 $0x5;
	[dreg:$0xc] =	wrdreg s2;
	(pc) =	sbr.rel .LBB2_1-.Ltmp0, $4  }
0x1f: {  	s16 =	simm.s32 $0xC;
	[dreg:$0xd] =	wrdreg s22;
	s2 =	sshrl.u32 s24, $0x3  }
0x20: {  	[dreg:$0xf] =	wrdreg s0;
	s22 =	simm.s32 $0x200;
	s24 =	simm.s32 $0x400  }
0x21: {  	s0 =	simm.s32 $0x600;
	s18 =	simm.s32 $0xE;
	s25 =	sadd.s32 s2, s6  }
0x22: {  	s6 =	simm.s32 $0x800;
	[dreg:$0x10] =	wrdreg s25;
	s25 =	simm.s32 $0xCA00  }
.LBB2_11:
0x23: {  	_ =	swait.ge [sflag:s12], $0x4000  }
0x24: {  	[sflag:s12] =	ssyncset.done $0x0  }
0x25: {  	s2 =	rddreg [dreg:$0x8];
	[sflag:s12] =	ssyncadd.s32 $0xFFFFC000  }
0x26: {  	[hbm4b:s2+s3] =	stream.linear.scatter [tilespmem:s14], [sflag:$0xD], $0x4000, $0x38;
	[tilespmem:$0x14A00] =	vst v63  }
0x27: {  	_ =	swait.ge [sflag:s13], $0x4000  }
0x28: {  	[sflag:s13] =	ssyncset.done $0x0  }
0x29: {  	s19 =	rddreg [dreg:$0x9];
	[sflag:s13] =	ssyncadd.s32 $0xFFFFC000  }
0x2a: {  	[hbm4b:s19+s3] =	stream.linear.scatter [tilespmem:s25], [sflag:$0xE], $0x4000, $0x38;
	[tilespmem:$0x14A00] =	vst v63  }
0x2b: {  	_ =	swait.ge [sflag:s5], $0x4000  }
0x2c: {  	[sflag:s5] =	ssyncset.done $0x0  }
0x2d: {  	s10 =	simm.s32 $0x10A00;
	s23 =	rddreg [dreg:$0xa];
	[sflag:s5] =	ssyncadd.s32 $0xFFFFC000  }
0x2e: {  	[hbm4b:s23+s3] =	stream.linear.scatter [tilespmem:s10], [sflag:$0xF], $0x4000, $0x38;
	[tilespmem:$0x14A00] =	vst v63  }
0x2f: {  	_ =	swait.ge [sflag:s15], $0x4000  }
0x30: {  	[sflag:s15] =	ssyncset.done $0x0  }
0x31: {  	[sflag:s15] =	ssyncadd.s32 $0xFFFFC000  }
0x32: {  	_ =	swait.ge [sflag:s16], $0x4000  }
0x33: {  	[sflag:s16] =	ssyncset.done $0x0  }
0x34: {  	[sflag:s16] =	ssyncadd.s32 $0xFFFFC000  }
0x35: {  	_ =	swait.ge [sflag:s17], $0x4000  }
0x36: {  	[sflag:s17] =	ssyncset.done $0x0  }
0x37: {  	[sflag:s17] =	ssyncadd.s32 $0xFFFFC000  }
0x38: {  	_ =	swait.ge [sflag:s18], $0x4000  }
0x39: {  	[sflag:s18] =	ssyncset.done $0x0  }
0x3a: {  	[sflag:s18] =	ssyncadd.s32 $0xFFFFC000  }
0x3b: {  	_ =	swait.ge [sflag:s9], $0x4000  }
0x3c: {  	s19 =	rddreg [dreg:$0x12]  }
0x3d: {  	s23 =	rddreg [dreg:$0xb];
	s10 =	sadd.s32 $0x1, s19  }
0x3e: {  	p0 =	sne.s32 s10, s23  }
.Ltmp1:
0x3f: {  	_ = 	snop;
	(pc) =	sbr.rel @!p0 .LBB2_12-.Ltmp1, $3  }
0x40: {  	_ =	sdelay $0x1  }
0x41: {  	[sflag:s9] =	ssyncset.done $0x0  }
0x42: {  	[sflag:s9] =	ssyncadd.s32 $0xFFFFC000  }
.LBB2_1:
0x43: {  	[dreg:$0x12] =	wrdreg s10  }
0x44: {  	s2 =	rddreg [dreg:$0x3]  }
0x45: {  	[tilespmem:s3], [sflag:$0x1] =	stream.linear.gather [hbm4b:s2+s3], $0x200, $0x38;
	[tilespmem:$0x14A00] =	vst v63  }
0x46: {  	s23 =	rddreg [dreg:$0x4]  }
0x47: {  	[tilespmem:s22], [sflag:$0x2] =	stream.linear.gather [hbm4b:s23+s3], $0x200, $0x38;
	[tilespmem:$0x14A00] =	vst v63  }
0x48: {  	s10 =	rddreg [dreg:$0x5]  }
0x49: {  	[tilespmem:s24], [sflag:$0x3] =	stream.linear.gather [hbm4b:s10+s3], $0x200, $0x38;
	[tilespmem:$0x14A00] =	vst v63  }
0x4a: {  	s19 =	rddreg [dreg:$0x6]  }
0x4b: {  	[tilespmem:s0], [sflag:$0x4] =	stream.linear.gather [hbm4b:s19+s3], $0x200, $0x38;
	[tilespmem:$0x14A00] =	vst v63  }
0x4c: {  	s2 =	simm.s32 $0x0;
	s23 =	rddreg [dreg:$0x7];
	s19 =	simm.s32 $0x0  }
0x4d: {  	[tilespmem:s6], [sflag:$0x5] =	stream.linear.gather [hbm4b:s23+s3], $0x200, $0x38;
	[tilespmem:$0x14A00] =	vst v63  }
.LBB2_2:
0x4e: {  	p0 =	sne.s32 s2, $0x0  }
.Ltmp2:
0x4f: {  	_ = 	snop;
	(pc) =	sbr.rel @!p0 .LBB2_3-.Ltmp2, $4  }
0x50: {  	_ = 	snop  }
0x51: {  	_ =	swait.ge [sflag:s26], $0x200  }
0x52: {  	[sflag:s26] =	ssyncset.done $0x0  }
0x53: {  	[sflag:s26] =	ssyncadd.s32 $0xFFFFFE00  }
0x54: {  	_ =	swait.ge [sflag:s15], $0x4000  }
0x55: {  	[sflag:s15] =	ssyncset.done $0x0  }
0x56: {  	[sflag:s15] =	ssyncadd.s32 $0xFFFFC000  }
0x57: {  	[tilespmem:s28], [sflag:$0x6] =	stream.indirect.gather [hbm4b:s4+s22], $0x20, s3, s22, $0xb8;
	[tilespmem:$0x14A00] =	vst v63  }
0x58: {  	s23 =	rddreg [dreg:$0xe];
	_ =	swait.ge [sflag:s12], $0x4000  }
0x59: {  	s23 =	sadd.s32 s19, s23;
	[sflag:s12] =	ssyncset.done $0x0  }
0x5a: {  	s24 =	sadd.s32 $0x1FFFE800, s23;
	[sflag:s12] =	ssyncadd.s32 $0xFFFFC000  }
0x5b: {  	s24 =	sand.u32 $0x1FFFF800, s24;
	s25 =	rddreg [dreg:$0x1]  }
0x5c: {  	s10 =	simm.s32 $0x8A00;
	s6 =	rddreg [dreg:$0x10];
	s24 =	sadd.s32 s25, s24  }
0x5d: {  	[hbm4b:s24+s3] =	stream.linear.scatter [tilespmem:s10], [sflag:$0xD], $0x4000, $0x38;
	[tilespmem:$0x14A00] =	vst v63  }
0x5e: {  	s0 =	simm.s32 $0x400;
	s24 =	sadd.s32 s2, s6  }
0x5f: {  	[tilespmem:s0], [sflag:$0x3] =	stream.linear.gather [hbm4b:s24+s3], $0x200, $0x38;
	[tilespmem:$0x14A00] =	vst v63  }
0x60: {  	_ =	swait.ge [sflag:s29], $0x200  }
0x61: {  	[sflag:s29] =	ssyncset.done $0x0  }
0x62: {  	[sflag:s29] =	ssyncadd.s32 $0xFFFFFE00  }
0x63: {  	_ =	swait.ge [sflag:s16], $0x4000  }
0x64: {  	[sflag:s16] =	ssyncset.done $0x0  }
0x65: {  	[sflag:s16] =	ssyncadd.s32 $0xFFFFC000  }
0x66: {  	[tilespmem:s30], [sflag:$0x7] =	stream.indirect.gather [hbm4b:s4+s22], $0x20, s22, s22, $0xb8;
	[tilespmem:$0x14A00] =	vst v63  }
0x67: {  	s24 =	sadd.s32 $0x1FFFF000, s23;
	_ =	swait.ge [sflag:s13], $0x4000  }
0x68: {  	s24 =	sand.u32 $0x1FFFF800, s24;
	[sflag:s13] =	ssyncset.done $0x0  }
0x69: {  	s14 =	simm.s32 $0xCA00;
	s24 =	sadd.s32 s25, s24;
	[sflag:s13] =	ssyncadd.s32 $0xFFFFC000  }
0x6a: {  	[hbm4b:s24+s3] =	stream.linear.scatter [tilespmem:s14], [sflag:$0xE], $0x4000, $0x38;
	[tilespmem:$0x14A00] =	vst v63  }
0x6b: {  	s14 =	rddreg [dreg:$0xf]  }
0x6c: {  	s6 =	simm.s32 $0x600;
	s24 =	sadd.s32 s2, s14  }
0x6d: {  	[tilespmem:s6], [sflag:$0x4] =	stream.linear.gather [hbm4b:s24+s3], $0x200, $0x38;
	[tilespmem:$0x14A00] =	vst v63  }
0x6e: {  	_ =	swait.ge [sflag:s31], $0x200  }
0x6f: {  	[sflag:s31] =	ssyncset.done $0x0  }
0x70: {  	[sflag:s31] =	ssyncadd.s32 $0xFFFFFE00  }
0x71: {  	_ =	swait.ge [sflag:s17], $0x4000  }
0x72: {  	[sflag:s17] =	ssyncset.done $0x0  }
0x73: {  	[sflag:s17] =	ssyncadd.s32 $0xFFFFC000  }
0x74: {  	[tilespmem:s10], [sflag:$0x8] =	stream.indirect.gather [hbm4b:s4+s22], $0x20, s0, s22, $0xb8;
	[tilespmem:$0x14A00] =	vst v63  }
0x75: {  	s23 =	sadd.s32 $0x1FFFF800, s23;
	_ =	swait.ge [sflag:s5], $0x4000  }
0x76: {  	s23 =	sand.u32 $0x1FFFF800, s23;
	[sflag:s5] =	ssyncset.done $0x0  }
0x77: {  	s23 =	sadd.s32 s25, s23;
	s10 =	simm.s32 $0x10A00;
	[sflag:s5] =	ssyncadd.s32 $0xFFFFC000  }
0x78: {  	[hbm4b:s23+s3] =	stream.linear.scatter [tilespmem:s10], [sflag:$0xF], $0x4000, $0x38;
	[tilespmem:$0x14A00] =	vst v63  }
0x79: {  	s10 =	rddreg [dreg:$0xd]  }
0x7a: {  	s6 =	simm.s32 $0x800;
	s23 =	sadd.s32 s2, s10  }
0x7b: {  	[tilespmem:s6], [sflag:$0x5] =	stream.linear.gather [hbm4b:s23+s3], $0x200, $0x38;
	[tilespmem:$0x14A00] =	vst v63  }
0x7c: {  	_ =	swait.ge [sflag:s1], $0x200  }
.Ltmp3:
0x7d: {  	[sflag:s1] =	ssyncset.done $0x0;
	(pc) =	sbr.rel .LBB2_5-.Ltmp3, $4  }
0x7e: {  	[sflag:s1] =	ssyncadd.s32 $0xFFFFFE00  }
0x7f: {  	_ =	swait.ge [sflag:s18], $0x4000  }
0x80: {  	s25 =	simm.s32 $0xCA00;
	s14 =	simm.s32 $0x8A00;
	[sflag:s18] =	ssyncset.done $0x0  }
0x81: {  	s24 =	simm.s32 $0x400;
	s0 =	simm.s32 $0x600;
	[sflag:s18] =	ssyncadd.s32 $0xFFFFC000  }
.LBB2_3:
0x82: {  	[tilespmem:s28], [sflag:$0x6] =	stream.indirect.gather [hbm4b:s4+s22], $0x20, s3, s22, $0xb8;
	[tilespmem:$0x14A00] =	vst v63  }
0x83: {  	_ =	swait.ge [sflag:s29], $0x200  }
0x84: {  	[sflag:s29] =	ssyncset.done $0x0  }
0x85: {  	[sflag:s29] =	ssyncadd.s32 $0xFFFFFE00  }
0x86: {  	[tilespmem:s30], [sflag:$0x7] =	stream.indirect.gather [hbm4b:s4+s22], $0x20, s22, s22, $0xb8;
	[tilespmem:$0x14A00] =	vst v63  }
0x87: {  	_ =	swait.ge [sflag:s31], $0x200  }
0x88: {  	[sflag:s31] =	ssyncset.done $0x0  }
0x89: {  	[sflag:s31] =	ssyncadd.s32 $0xFFFFFE00  }
0x8a: {  	[tilespmem:s14], [sflag:$0x8] =	stream.indirect.gather [hbm4b:s4+s22], $0x20, s24, s22, $0xb8;
	[tilespmem:$0x14A00] =	vst v63  }
0x8b: {  	_ =	swait.ge [sflag:s1], $0x200  }
0x8c: {  	[sflag:s1] =	ssyncset.done $0x0  }
0x8d: {  	[sflag:s1] =	ssyncadd.s32 $0xFFFFFE00  }
.LBB2_5:
0x8e: {  	[tilespmem:s25], [sflag:$0x9] =	stream.indirect.gather [hbm4b:s4+s22], $0x20, s0, s22, $0xb8;
	[tilespmem:$0x14A00] =	vst v63  }
0x8f: {  	p0 =	sne.s32 s2, $0x30C0  }
.Ltmp4:
0x90: {  	_ = 	snop;
	(pc) =	sbr.rel @p0 .LBB2_7-.Ltmp4, $4  }
0x91: {  	_ =	swait.ge [sflag:s7], $0x4000  }
0x92: {  	[sflag:s7] =	ssyncset.done $0x0  }
0x93: {  	s23 =	sadd.s32 s19, s20;
	[sflag:s7] =	ssyncadd.s32 $0xFFFFC000  }
0x94: {  	[hbm4b:s23+s3] =	stream.linear.scatter [tilespmem:s28], [sflag:$0xB], $0x4000, $0x38;
	[tilespmem:$0x14A00] =	vst v63  }
.Ltmp5:
0x95: {  	(pc) =	sbr.rel .LBB2_8-.Ltmp5, $4  }
0x96: {  	_ = 	snop  }
0x97: {  	_ =	swait.ge [sflag:s8], $0x200  }
0x98: {  	[sflag:s8] =	ssyncset.done $0x0  }
0x99: {  	[sflag:s8] =	ssyncadd.s32 $0xFFFFFE00  }
.LBB2_7:
0x9a: {  	s23 =	rddreg [dreg:$0xc];
	p0 =	seq.s32 s2, $0x0  }
.Ltmp6:
0x9b: {  	s23 =	sadd.s32 s2, s23;
	(pc) =	sbr.rel @p0 .LBB2_9-.Ltmp6, $4  }
0x9c: {  	[tilespmem:s3], [sflag:$0x1] =	stream.linear.gather [hbm4b:s23+s3], $0x200, $0x38;
	[tilespmem:$0x14A00] =	vst v63  }
0x9d: {  	_ =	swait.ge [sflag:s8], $0x200  }
0x9e: {  	[sflag:s8] =	ssyncset.done $0x0  }
0x9f: {  	[sflag:s8] =	ssyncadd.s32 $0xFFFFFE00  }
.LBB2_8:
0xa0: {  	_ =	swait.ge [sflag:s9], $0x4000  }
0xa1: {  	[sflag:s9] =	ssyncset.done $0x0  }
0xa2: {  	[sflag:s9] =	ssyncadd.s32 $0xFFFFC000  }
.LBB2_9:
0xa3: {  	s10 =	simm.s32 $0x10A00;
	p0 =	seq.s32 s2, $0x30C0  }
0xa4: {  	[tilespmem:s10], [sflag:$0xA] =	stream.indirect.gather [hbm4b:s4+s22], $0x20, s6, s22, $0xb8;
	[tilespmem:$0x14A00] =	vst v63  }
.Ltmp7:
0xa5: {  	_ = 	snop;
	(pc) =	sbr.rel @p0 .LBB2_11-.Ltmp7, $4  }
0xa6: {  	_ =	swait.ge [sflag:s11], $0x4000  }
0xa7: {  	[sflag:s11] =	ssyncset.done $0x0  }
0xa8: {  	s23 =	sadd.s32 s19, s21;
	[sflag:s11] =	ssyncadd.s32 $0xFFFFC000  }
0xa9: {  	[hbm4b:s23+s3] =	stream.linear.scatter [tilespmem:s30], [sflag:$0xC], $0x4000, $0x38;
	[tilespmem:$0x14A00] =	vst v63  }
.Ltmp8:
0xaa: {  	(pc) =	sbr.rel .LBB2_2-.Ltmp8, $4  }
0xab: {  	_ = 	snop  }
0xac: {  	s10 =	rddreg [dreg:$0x11]  }
0xad: {  	s19 =	sadd.s32 $0x2800, s19;
	s23 =	sadd.s32 s2, s10;
	s2 =	sadd.s32 $0x140, s2  }
0xae: {  	[tilespmem:s22], [sflag:$0x2] =	stream.linear.gather [hbm4b:s23+s3], $0x200, $0x38;
	[tilespmem:$0x14A00] =	vst v63  }
.LBB2_12:
0xaf: {  	_ =	sfence.sel $0x180000  }
0xb0: {  	[bflag:$0x0] =	sbarrier.arrive $0xFFFF  }
0xb1: {  	_ =	strace $0x90000047  }
0xb2: {  	s0 =	stileid.u32;
	[bflag:$0x2] =	sbarrier.arrive $0xFFFF  }
0xb3: {  	p0 =	sne.s32 s0, $0x0;
	s0 =	rddreg [dreg:$0x2]  }
0xb4: {  	s0 =	sadd.s32 @!p0 $0x100000, s0  }
0xb5: {  	[sflag:s0] =	ssyncadd.tile.s32 @!p0 $0x1;
	_ =	shalt  }
.Lfunc_end2:
_tile_overlayer_lowered:
.L_overlay_start_2:
0xb6: {  	(tag) =	ssettag $0x2  }
0xb7: {  	s0 =	rddreg [dreg:$0x0];
	s2 =	stileid.u32  }
0xb8: {  	s1 =	rddreg [dreg:$0x1];
	p0 =	sne.s32 s2, $0x0  }
0xb9: {  	s3 =	rddreg [dreg:$0x2];
	[bflag:$0x3] =	sbarrier.arrive $0xFFFF;
	s2 =	simm.s32 @!p0 $0x1C10  }
0xba: {  	[timem:s3], [sflag:s2] =	dma.local @!p0 [hbm:s0], s1  }
0xbb: {  	s0 =	simm.s32 @!p0 $0x10  }
0xbc: {  	_ =	swait.ge @!p0 [sflag:s0], s1  }
0xbd: {  	s1 =	ssub.s32 @!p0 $0x0, s1;
	[sflag:s0] =	ssyncset.done @!p0 $0x0  }
0xbe: {  	[sflag:s0] =	ssyncadd.s32 @!p0 s1  }
0xbf: {  	[bflag:$0x3] =	sbarrier.arrive $0xFFFF  }
0xc0: {  	_ =	shalt  }

// kernel: sparse-core-data-format-call.cloned.1.call-start
scs
called_computation_lowered:
.L_overlay_start_0:
0x0: {  	s2 =	sld [smem:$0x3FD9]  }
0x1: {  	s3 =	sld [smem:$0x3FFE];
	_ =	sdelay $0x1  }
0x2: {  	s1 =	srdreg.scid  }
0x3: {  	s0 =	sand.u32 $0x1, s1  }
0x4: {  	s18 =	sshll.u32 s0, $0xA;
	s2 =	sadd.s32 s3, s2  }
0x5: {  	s2 =	sadd.s32 s2, s18  }
0x6: {  	[smem:$0x3FC6] =	sst s2  }
0x7: {  	_ = 	snop  }
0x8: {  	s2 =	sld [smem:$0x3FD0];
	(tm) =	ssettm $0x1  }
0x9: {  	s19 =	sld [smem:$0x3FFB];
	_ =	sdelay $0x3  }
0xa: {  	_ =	strace s19  }
0xb: {  	s3 =	sld [smem:$0x3FFC];
	_ =	sdelay $0x3  }
0xc: {  	_ =	strace s3  }
0xd: {  	s3 =	sld [smem:$0x3FFD];
	_ =	sdelay $0x3  }
0xe: {  	_ =	strace s3  }
0xf: {  	_ =	strace $0x8FFFFFFF  }
0x10: {  	s20 =	sld [smem:$0x3FDB];
	_ =	sdelay $0x1  }
0x11: {  	s4 =	simm.s32 $_scs_section_size  }
0x12: {  	s5 =	simm.s32 $_size__tile_overlayer_lowered;
	s6 =	simm.s32 $_tile_overlayer_lowered  }
0x13: {  	s23 =	simm.s32 $0x1BFF;
	s22 =	sshll.u32 s6, $0x1;
	s3 =	sadd.s32 s4, s20  }
0x14: {  	s7 =	simm.s32 $0x0;
	s21 =	sshll.u32 s5, $0x1;
	s5 =	sadd.s32 s22, s3  }
0x15: {  	[timem:s7], [sflag:s23] =	dma.local [hbm:s5], s21  }
0x16: {  	_ =	swait.ge [sflag:s23], s21  }
0x17: {  	s4 =	ssub.s32 $0x0, s21;
	[sflag:s23] =	ssyncset.done $0x0  }
0x18: {  	[sflag:s23] =	ssyncadd.s32 s4;
	_ =	sdelay $0x1  }
0x19: {  	s24 =	simm.s32 $0x1B8B  }
0x1a: {  	_ =	swait.ge [sflag:s24], $0x1  }
0x1b: {  	[sflag:s24] =	ssyncset.done $0x0  }
0x1c: {  	s26 =	simm.s32 $0x1B8E;
	s25 =	sld [smem:$0x3FFE];
	[sflag:s24] =	ssyncadd.s32 $0xFFFFFFFF  }
0x1d: {  	s27 =	simm.s32 $execute0_lowered;
	[smem:$0x3FD2] =	sst s26  }
0x1e: {  	s5 =	sshll.u32 s27, $0x1;
	_ =	strace $0x80000049;
	[dreg:$0x1] =	wrdreg $0xFFFFFFFF  }
0x1f: {  	s28 =	simm.s32 $_size_execute0_lowered;
	s3 =	sadd.s32 s3, s5;
	[dreg:$0x0] =	wrdreg $0x0  }
0x20: {  	s5 =	sshll.u32 s28, $0x1;
	[dreg:$0x2] =	wrdreg s3  }
0x21: {  	[dreg:$0x3] =	wrdreg s5  }
0x22: {  	[dreg:$0x4] =	wrdreg $0xC0  }
0x23: {  	_ =	task [dreg:s7], $0x5FFFF  }
0x24: {  	[dreg:$0x1] =	wrdreg $0xFFFFFFFF  }
0x25: {  	[dreg:$0x0] =	wrdreg $0x60  }
0x26: {  	[dreg:$0x2] =	wrdreg s25  }
0x27: {  	[dreg:$0x3] =	wrdreg s2  }
0x28: {  	[dreg:$0x4] =	wrdreg $0x9  }
0x29: {  	_ =	task.clear_ibuf [dreg:s7], $0x5FFFF;
	_ =	strace $0x90000049  }
0x2a: {  	s29 =	simm.s32 $0x9;
	_ =	strace $0x8000004B  }
0x2b: {  	_ =	swait.ge [sflag:s29], $0x1  }
0x2c: {  	[sflag:s29] =	ssyncadd.s32 $0xFFFFFFFF  }
0x2d: {  	_ =	strace $0x9000004B  }
0x2e: {  	_ =	sfence  }
0x2f: {  	s30 =	sld [smem:$0x0];
	_ =	sdelay $0x2  }
0x30: {  	s31 =	sshll.u32 s1, $0xD;
	s1 =	sshrl.u32 s1, $0x2  }
0x31: {  	s3 =	sand.u32 $0x4000, s31;
	s1 =	sadd.s32 s1, s30  }
0x32: {  	s0 =	sor.u32 s3, s0;
	s1 =	sshll.u32 s1, $0x11  }
0x33: {  	s0 =	sor.u32 s1, s0  }
0x34: {  	s0 =	sadd.s32 $0x8F2B, s0  }
0x35: {  	[sflag:s0] =	ssyncadd.remote.s32 $0x1  }
0x36: {  	_ =	sfence.sel $0xFFFF  }
0x37: {  	[dreg:$0x0] =	wrdreg $0xFFFFFFFF;
	(pc) =	sbr.abs _section_cstart, $3  }
0x38: {  	[dreg:$0x1] =	wrdreg $0xFFFFFFFF  }
0x39: {  	_ =	task.clear_ibuf [dreg:s7], $0x2FFFF;
	_ =	strace $0x9FFFFFFF  }
0x3a: {  	(tm) =	ssettm $0x7FFFFFFF  }
0x3b: {  	_ =	shalt  }
tec
execute0_lowered:
.L_overlay_start_1:
0x0: {  	(tag) =	ssettag $0x1  }
0x1: {  	s0 =	srdreg.scid  }
0x2: {  	s1 =	sshll.u32 s0, $0x4  }
0x3: {  	s0 =	stileid.u32;
	s1 =	sand.u32 $0x10, s1  }
0x4: {  	s1 =	sor.u32 s0, s1  }
0x5: {  	s6 =	rddreg [dreg:$0x0];
	s4 =	simm.s32 $0x1;
	s2 =	sshll.u32 s1, $0x7  }
0x6: {  	s7 =	simm.s32 $0x2;
	s12 =	simm.s32 $0x0;
	s1 =	ssub.s32 $0x4000, s2  }
0x7: {  	s8 =	simm.s32 $0x20000;
	s13 =	simm.s32 $0x0;
	s3 =	sand.u32 $0xF80, s1  }
0x8: {  	s9 =	simm.s32 $0x0;
	s5 =	sshrl.u32 s1, $0xC;
	p0 =	sne.s32 s3, $0x0  }
.Ltmp0:
0x9: {  	s1 =	rddreg [dreg:$0x2];
	s4 =	simm.s32 @!p0 $0x0;
	(pc) =	sbr.rel .LBB1_1-.Ltmp0, $4  }
0xa: {  	s11 =	simm.s32 $0x0;
	s3 =	rddreg [dreg:$0x1];
	s5 =	sadd.s32 s4, s5  }
0xb: {  	_ =	strace $0x8000004A;
	s4 =	simm.s32 $0x1;
	s5 =	smul.u32 $0xC8, s5  }
0xc: {  	s6 =	sadd.s32 $0x800, s6;
	s10 =	smov.u32 s2;
	[sflag:s4] =	ssyncpa.u1 $0x0  }
0xd: {  	p0 =	por $0x0, $0x0;
	[sflag:s7] =	ssyncpa.u1 $0x0;
	s7 =	sor.u32 $0x1, s5  }
.LBB1_4:
0xe: {  	s16 =	sshll.u32 s13, $0x3;
	s17 =	sand.u32 $0x78, s13  }
0xf: {  	s30 =	sand.u32 $0xF800, s13;
	s12 =	sshll.u32 s12, $0x10;
	s16 =	sand.u32 $0x3C00, s16  }
0x10: {  	s31 =	sand.u32 $0x7, s13;
	s16 =	sor.u32 s17, s16;
	s17 =	sadd.s32 s3, s30  }
0x11: {  	s13 =	sshll.u32 s31, $0x12;
	s16 =	sshrl.u32 s16, $0x3;
	s12 =	sadd.s32 s12, s17  }
0x12: {  	[tilespmem:s15+$0x0 ss:$0x81] =	vst.msk $0xffff, v0;
	s13 =	sor.u32 $0x400, s13;
	s12 =	sadd.s32 s16, s12  }
0x13: {  	[hbm4b:s12+s13] =	stream.strided.scatter [tilespmem:s14], [sflag:$0x2], $0x1000, s8, s13, $0x20;
	[tilespmem:$0x4040] =	vst v63  }
.LBB1_5:
0x14: {  	s14 =	sadd.s32 $0x1, s9  }
0x15: {  	s12 =	sadd.s32 $0x1000, s10;
	s16 =	smov.u32 s10;
	p2 =	sgt.s32 s14, $0xC7  }
0x16: {  	s16 =	smov.u32 @p2 s12  }
0x17: {  	s14 =	simm.s32 @p2 $0x0;
	p2 =	sgt.s32 s16, $0x3FFF  }
0x18: {  	s16 =	smov.u32 @p2 s2;
	p2 =	sne.s32 s11, s7  }
.Ltmp1:
0x19: {  	p1 =	slt.u32 s11, $0x2;
	(pc) =	sbr.rel @!p2 .LBB1_6-.Ltmp1, $4  }
0x1a: {  	s15 =	simm.s32 @!p1 $0x2  }
0x1b: {  	s13 =	smov.u32 s10;
	p0 =	por !p0, !p0;
	_ =	swait.ge @!p1 [sflag:s15], $0x1000  }
0x1c: {  	s12 =	smov.u32 s9;
	[sflag:s15] =	ssyncset.done @!p1 $0x0;
	s9 =	smov.u32 s14  }
0x1d: {  	s11 =	sadd.s32 $0x1, s11;
	[sflag:s15] =	ssyncadd.s32 @!p1 $0xFFFFF000;
	s10 =	smov.u32 s16  }
.LBB1_1:
0x1e: {  	p1 =	sge.u32 s11, s5  }
0x1f: {  	s14 =	sand.u32 @!p1 $0x1FFFFFF, s9  }
0x20: {  	s15 =	smulhi.u32 @!p1 $0x147AE15, s14;
	_ =	sdelay $0x1  }
0x21: {  	s15 =	smul.u32 @!p1 $0xC8, s15  }
0x22: {  	s16 =	sxor.u32 @!p1 $0xFFFFFFFF, s11;
	s17 =	smul.u32 @!p1 $0xC80, s10  }
0x23: {  	s31 =	sadd.s32 $0xFFFFFFFF, s11;
	s16 =	sshll.u32 @!p1 s16, $0xC;
	s14 =	ssub.s32 @!p1 s14, s15  }
0x24: {  	s15 =	sand.u32 @!p1 $0x1000, s16;
	s16 =	sadd.s32 @!p1 s6, s17;
	s14 =	sshll.u32 @!p1 s14, $0x4  }
0x25: {  	s17 =	simm.s32 @!p1 $0x6400;
	s14 =	sadd.s32 @!p1 s14, s16;
	s16 =	simm.s32 @!p1 $0x20  }
0x26: {  	[tilespmem:s15], [sflag:$0x1] =	stream.strided.gather @!p1 [hbm4b:s14+s16], $0x1000, s17, s16, $0x38;
	[tilespmem:$0x4040] =	vst v63  }
0x27: {  	p1 =	sge.u32 s31, s5  }
.Ltmp2:
0x28: {  	_ = 	snop;
	(pc) =	sbr.rel @p1 .LBB1_5-.Ltmp2, $1  }
0x29: {  	_ =	sdelay $0x3  }
0x2a: {  	s14 =	simm.s32 $0x1  }
0x2b: {  	_ =	swait.ge [sflag:s4], $0x1000;
	s14 =	simm.s32 @!p0 $0x0  }
0x2c: {  	[sflag:s4] =	ssyncset.done $0x0;
	s15 =	sshll.u32 s14, $0xC  }
0x2d: {  	[sflag:s4] =	ssyncadd.s32 $0xFFFFF000;
	s18 =	sor.u32 $0x10, s15  }
0x2e: {  	s14 =	smul.u32 $0x4080, s14;
	v1 =	vld [tilespmem:s18+$0x0]  }
0x2f: {  	s30 =	sand.u32 $0x1, s11;
	v0 =	vld [tilespmem:s18+$0xFFFFFFF0]  }
0x30: {  	s15 =	smul.u32 $0x4080, s30;
	s14 =	sshrl.u32 s14, $0x2  }
0x31: {  	s16 =	sor.u32 $0x2000, s14  }
0x32: {  	s31 =	sshrl.u32 s15, $0x2;
	s15 =	sadd.s32 $0x0, s16  }
0x33: {  	s17 =	simm.s32 $0x4;
	s18 =	sadd.s32 $0x20, s18;
	s14 =	sor.u32 $0x2000, s31;
	[tilespmem:s15+$0x810 ss:$0x81] =	vst.msk $0xffff, v1  }
.LBB1_3:
0x34: {  	v1 =	vld [tilespmem:s18+$0x0];
	p1 =	sne.s32 s17, $0x1FC;
	[tilespmem:s15+$0x0 ss:$0x81] =	vst.msk $0xffff, v0;
	s15 =	smov.u32 s17;
	s17 =	sadd.s32 $0x4, s17  }
.Ltmp3:
0x35: {  	v0 =	vld [tilespmem:s18+$0xFFFFFFF0];
	(pc) =	sbr.rel @p1 .LBB1_3-.Ltmp3, $4  }
0x36: {  	_ = 	snop  }
0x37: {  	s15 =	sshra.s32 s15, $0x2  }
0x38: {  	s15 =	sadd.s32 s15, s16  }
0x39: {  	s18 =	sadd.s32 $0x20, s18;
	[tilespmem:s15+$0x810 ss:$0x81] =	vst.msk $0xffff, v1  }
.Ltmp4:
0x3a: {  	_ = 	snop;
	(pc) =	sbr.rel .LBB1_4-.Ltmp4, $1  }
0x3b: {  	_ =	sdelay $0x3  }
.LBB1_6:
0x3c: {  	_ =	sfence.sel $0x180000  }
0x3d: {  	s2 =	simm.s32 $0x1;
	[bflag:$0x0] =	sbarrier.arrive $0xFFFF  }
0x3e: {  	s31 =	simm.s32 $0x2;
	[sflag:s2] =	ssyncpa.u1 $0x1  }
0x3f: {  	[sflag:s31] =	ssyncpa.u1 $0x1  }
0x40: {  	p0 =	sne.s32 s0, $0x0;
	_ =	strace $0x9000004A  }
0x41: {  	s0 =	sadd.s32 @!p0 $0x100000, s1;
	[bflag:$0x2] =	sbarrier.arrive $0xFFFF  }
0x42: {  	[sflag:s0] =	ssyncadd.tile.s32 @!p0 $0x1;
	_ =	shalt  }
.Lfunc_end1:
_tile_overlayer_lowered:
.L_overlay_start_2:
0x43: {  	(tag) =	ssettag $0x2  }
0x44: {  	s0 =	rddreg [dreg:$0x0];
	s2 =	stileid.u32  }
0x45: {  	s1 =	rddreg [dreg:$0x1];
	p0 =	sne.s32 s2, $0x0  }
0x46: {  	s3 =	rddreg [dreg:$0x2];
	[bflag:$0x3] =	sbarrier.arrive $0xFFFF;
	s2 =	simm.s32 @!p0 $0x1C01  }
0x47: {  	[timem:s3], [sflag:s2] =	dma.local @!p0 [hbm:s0], s1  }
0x48: {  	s0 =	simm.s32 @!p0 $0x1  }
0x49: {  	_ =	swait.ge @!p0 [sflag:s0], s1  }
0x4a: {  	s1 =	ssub.s32 @!p0 $0x0, s1;
	[sflag:s0] =	ssyncset.done @!p0 $0x0  }
0x4b: {  	[sflag:s0] =	ssyncadd.s32 @!p0 s1  }
0x4c: {  	[bflag:$0x3] =	sbarrier.arrive $0xFFFF  }
0x4d: {  	_ =	shalt  }

</sc_bundles>
